<compile_context>
chip_gen: v7x
topology: tpu7x:2x2x1
jax: 0.10.2.dev20260603
libtpu: 0.0.44.dev20260713+nightly
codegen_flags: <defaults>
</compile_context>

<pallas_src>
import jax
import jax.numpy as jnp
import numpy as np
from jax import lax
from jax.experimental import pallas as pl
from jax.experimental.pallas import tpu as pltpu
from jax.experimental.pallas import tpu_sc as plsc

B, H, L_Q, L_K, N_TOP = 4, 16, 4096, 4096, 64
R = B * H * N_TOP
GB = 32
ROW_W = L_K // 4
SEG_W = 2 * ROW_W
NC, NS = 2, 16
NW = NC * NS
RPW = R // NW
CHUNK = 32

_FE = np.concatenate([np.zeros(L_K, np.uint8), np.ones(L_K + GB, np.uint8)])
_TBL = np.concatenate(
    [np.frombuffer(_FE[g:g + 4 * SEG_W].tobytes(), dtype=np.int32)
     for g in range(GB)])


def _sc_body(idx_hbm, tbl_hbm, out_hbm, tbl_v, idx_v, sem):
    cid = lax.axis_index("c")
    sid = lax.axis_index("s")
    wid = sid * NC + cid
    base = wid * RPW

    pltpu.sync_copy(tbl_hbm, tbl_v)
    pltpu.sync_copy(idx_hbm.at[pl.ds(base, RPW)], idx_v)

    def chunk(c, carry):
        row0 = c * CHUNK
        copies = []
        for v in range(CHUNK // 16):
            vec = idx_v[pl.ds(row0 + v * 16, 16)]
            s_vec = (L_K - 1) - vec
            g_vec = lax.rem(s_vec, GB)
            o_vec = g_vec * SEG_W + lax.shift_right_logical(s_vec - g_vec, 2)
            for j in range(16):
                i = row0 + v * 16 + j
                o = pl.multiple_of(o_vec[j], 8)
                copies.append(pltpu.async_copy(
                    tbl_v.at[pl.ds(o, ROW_W)],
                    out_hbm.at[pl.ds((base + i) * ROW_W, ROW_W)], sem))
        for cp in copies:
            cp.wait()
        return carry

    lax.fori_loop(0, RPW // CHUNK, chunk, 0)


@jax.jit
def _sc_call(idx_flat, tbl):
    mesh = plsc.VectorSubcoreMesh(core_axis_name="c", subcore_axis_name="s")
    f = pl.kernel(
        _sc_body,
        out_type=jax.ShapeDtypeStruct((R * ROW_W,), jnp.int32),
        mesh=mesh,
        scratch_types=[
            pltpu.VMEM((GB * SEG_W,), jnp.int32),
            pltpu.VMEM((RPW,), jnp.int32),
            pltpu.SemaphoreType.DMA,
        ],
    )
    return f(idx_flat, tbl)


def kernel(index, scores):
    del scores
    idx_flat = index.reshape(R).astype(jnp.int32)
    out = _sc_call(idx_flat, jnp.asarray(_TBL))
    return out.view(jnp.int8).view(jnp.bool_).reshape(B, H, N_TOP, L_K)

# --- scband reference (transcript-rebuilt; emitter-appended) ---
"""Pipeline reference for scband-prob-mask-53815940219427 (READ-ONLY COPY).

The authoritative reference and input builder live on the scoring server;
editing this copy changes nothing except your own understanding.
"""

import jax, jax.numpy as jnp
import numpy as np

B, H, L_Q, L_K, N_TOP = 4, 16, 4096, 4096, 64


def setup_inputs(seed: int = 0) -> dict:
    key = jax.random.key(seed)
    k1, k2 = jax.random.split(key)
    index = jax.random.randint(k1, (B, H, N_TOP), 0, L_Q)
    scores = jax.random.normal(k2, (B, H, N_TOP, L_K), dtype=jnp.float32)
    return {"index": index, "scores": scores}


def reference(index, scores):
    # _mask = torch.ones(L_Q, L_K, dtype=bool).triu(1)
    _mask = jnp.triu(jnp.ones((L_Q, L_K), dtype=bool), k=1)
    # _mask_ex = _mask[None, None, :].expand(B, H, L_Q, L_K)
    _mask_ex = jnp.broadcast_to(_mask[None, None, :, :], (B, H, L_Q, L_K))
    # advanced indexing: indicator = _mask_ex[b_idx, h_idx, index, :]
    b_idx = jnp.arange(B)[:, None, None]
    h_idx = jnp.arange(H)[None, :, None]
    indicator = _mask_ex[b_idx, h_idx, index, :]
    # mask reshaped to scores.shape
    mask = indicator.reshape(scores.shape)
    return mask

if __name__ == "__main__":
    import jax
    _d = setup_inputs()
    print(jax.jit(kernel)(*tuple(_d.values())))

</pallas_src>

<mosaic_0001>
#map = affine_map<(d0, d1) -> (0)>
module attributes {stable_mosaic.version = 14 : i64} {
  func.func @_sc_body(%arg0: i32, %arg1: i32, %arg2: memref<4096xi32, #tpu.memory_space<hbm>>, %arg3: memref<65536xi32, #tpu.memory_space<hbm>>, %arg4: memref<4194304xi32, #tpu.memory_space<hbm>>, %arg5: memref<65536xi32, #tpu.memory_space<vmem>>, %arg6: memref<128xi32, #tpu.memory_space<vmem>>, %arg7: memref<!tpu.dma_semaphore, #tpu.memory_space<semaphore_mem>>) attributes {dimension_semantics = [#tpu.dimension_semantics<core_parallel>, #tpu.dimension_semantics<subcore_parallel>], iteration_bounds = array<i64: 2, 16>, scalar_prefetch = 0 : i64, scratch_operands = 3 : i64, tpu.core_type = #tpu.core_type<sc_vector_subcore>, window_params = [{transform_indices = #map}, {transform_indices = #map}, {transform_indices = #map}]} {
    %mul3A = arith.constant 2 : i32
    %mul3A_0 = arith.muli %arg1, %mul3A : i32
    %add3A = arith.addi %mul3A_0, %arg0 : i32
    %mul3A_1 = arith.constant 128 : i32
    %mul3A_2 = arith.muli %add3A, %mul3A_1 : i32
    "tpu.region"() ({
      %run_scoped3A = tpu.sem_alloc : memref<!tpu.dma_semaphore, #tpu.memory_space<semaphore_mem>>
      tpu.enqueue_dma source(%arg3 : memref<65536xi32, #tpu.memory_space<hbm>>) target(%arg5 : memref<65536xi32, #tpu.memory_space<vmem>>) target_semaphore(%run_scoped3A : memref<!tpu.dma_semaphore, #tpu.memory_space<semaphore_mem>>)
      tpu.wait_dma2 semaphore(%run_scoped3A : memref<!tpu.dma_semaphore, #tpu.memory_space<semaphore_mem>>) src(%arg3 : memref<65536xi32, #tpu.memory_space<hbm>>) dst(%arg5 : memref<65536xi32, #tpu.memory_space<vmem>>)
      tpu.yield
    }) : () -> ()
    "tpu.region"() ({
      %run_scoped3A = tpu.sem_alloc : memref<!tpu.dma_semaphore, #tpu.memory_space<semaphore_mem>>
      %dma_start3A = tpu.memref_slice %arg2[%mul3A_2] : memref<4096xi32, #tpu.memory_space<hbm>> -> memref<128xi32, #tpu.memory_space<hbm>>
      %dma_start3A_8 = tpu.memref_slice %arg2[%mul3A_2] : memref<4096xi32, #tpu.memory_space<hbm>> -> memref<128xi32, #tpu.memory_space<hbm>>
      tpu.enqueue_dma source(%dma_start3A_8 : memref<128xi32, #tpu.memory_space<hbm>>) target(%arg6 : memref<128xi32, #tpu.memory_space<vmem>>) target_semaphore(%run_scoped3A : memref<!tpu.dma_semaphore, #tpu.memory_space<semaphore_mem>>)
      %dma_wait3A = tpu.memref_slice %arg2[%mul3A_2] : memref<4096xi32, #tpu.memory_space<hbm>> -> memref<128xi32, #tpu.memory_space<hbm>>
      %dma_wait3A_9 = tpu.memref_slice %arg2[%mul3A_2] : memref<4096xi32, #tpu.memory_space<hbm>> -> memref<128xi32, #tpu.memory_space<hbm>>
      tpu.wait_dma2 semaphore(%run_scoped3A : memref<!tpu.dma_semaphore, #tpu.memory_space<semaphore_mem>>) src(%dma_wait3A_9 : memref<128xi32, #tpu.memory_space<hbm>>) dst(%arg6 : memref<128xi32, #tpu.memory_space<vmem>>)
      tpu.yield
    }) : () -> ()
    %scan3A = arith.constant 0 : i32
    %scan3A_3 = arith.constant 0 : i32
    %scan3A_4 = arith.constant 4 : i32
    %scan3A_5 = arith.addi %scan3A_3, %scan3A_4 : i32
    %scan3A_6 = arith.constant 1 : i32
    scf.for %scan3A_8 = %scan3A_3 to %scan3A_5 step %scan3A_6  : i32 {
      %mul3A_9 = arith.constant 32 : i32
      %mul3A_10 = arith.muli %scan3A_8, %mul3A_9 : i32
      %add3A_11 = arith.constant 0 : i32
      %add3A_12 = arith.addi %mul3A_10, %add3A_11 : i32
      %get3A = arith.index_cast %add3A_12 : i32 to index
      %get3A_13 = tpu.vector_load %arg6[%get3A] {strides = array<i32>} : memref<128xi32, #tpu.memory_space<vmem>>, vector<16xi32>,
      %get3A_14 = vector.shape_cast %get3A_13 : vector<16xi32> to vector<16xi32>
      %sub3A = arith.constant 4095 : i32
      %sub3A_15 = vector.broadcast %sub3A : i32 to vector<16xi32>
      %sub3A_16 = arith.subi %sub3A_15, %get3A_14 : vector<16xi32>
      %rem3A = arith.constant 32 : i32
      %rem3A_17 = vector.broadcast %rem3A : i32 to vector<16xi32>
      %rem3A_18 = arith.remsi %sub3A_16, %rem3A_17 : vector<16xi32>
      %mul3A_19 = arith.constant 2048 : i32
      %mul3A_20 = vector.broadcast %mul3A_19 : i32 to vector<16xi32>
      %mul3A_21 = arith.muli %rem3A_18, %mul3A_20 : vector<16xi32>
      %sub3A_22 = arith.subi %sub3A_16, %rem3A_18 : vector<16xi32>
      %shift_right_logical3A = arith.constant 2 : i32
      %shift_right_logical3A_23 = vector.broadcast %shift_right_logical3A : i32 to vector<16xi32>
      %shift_right_logical3A_24 = arith.shrui %sub3A_22, %shift_right_logical3A_23 : vector<16xi32>
      %add3A_25 = arith.addi %mul3A_21, %shift_right_logical3A_24 : vector<16xi32>
      %add3A_26 = arith.constant 0 : i32
      %add3A_27 = arith.addi %mul3A_10, %add3A_26 : i32
      %add3A_28 = arith.constant 0 : i32
      %add3A_29 = arith.addi %add3A_27, %add3A_28 : i32
      %slice3A = vector.extract_strided_slice %add3A_25 {offsets = [0], sizes = [1], strides = [1]} : vector<16xi32> to vector<1xi32>
      %squeeze3A = vector.extract %slice3A[0] : i32 from vector<1xi32>
      %multiple_of3A = tpu.assume_multiple %squeeze3A, 8 : i32
      %add3A_30 = arith.addi %mul3A_2, %add3A_29 : i32
      %mul3A_31 = arith.constant 1024 : i32
      %mul3A_32 = arith.muli %add3A_30, %mul3A_31 : i32
      %dma_start3A = tpu.memref_slice %arg5[%multiple_of3A] : memref<65536xi32, #tpu.memory_space<vmem>> -> memref<1024xi32, #tpu.memory_space<vmem>>
      %dma_start3A_33 = tpu.memref_slice %arg4[%mul3A_32] : memref<4194304xi32, #tpu.memory_space<hbm>> -> memref<1024xi32, #tpu.memory_space<hbm>>
      %dma_start3A_34 = tpu.memref_slice %arg4[%mul3A_32] : memref<4194304xi32, #tpu.memory_space<hbm>> -> memref<1024xi32, #tpu.memory_space<hbm>>
      %dma_start3A_35 = tpu.memref_slice %arg5[%multiple_of3A] : memref<65536xi32, #tpu.memory_space<vmem>> -> memref<1024xi32, #tpu.memory_space<vmem>>
      tpu.enqueue_dma source(%dma_start3A_35 : memref<1024xi32, #tpu.memory_space<vmem>>) target(%dma_start3A_34 : memref<1024xi32, #tpu.memory_space<hbm>>) target_semaphore(%arg7 : memref<!tpu.dma_semaphore, #tpu.memory_space<semaphore_mem>>)
      %add3A_36 = arith.constant 0 : i32
      %add3A_37 = arith.addi %mul3A_10, %add3A_36 : i32
      %add3A_38 = arith.constant 1 : i32
      %add3A_39 = arith.addi %add3A_37, %add3A_38 : i32
      %slice3A_40 = vector.extract_strided_slice %add3A_25 {offsets = [1], sizes = [1], strides = [1]} : vector<16xi32> to vector<1xi32>
      %squeeze3A_41 = vector.extract %slice3A_40[0] : i32 from vector<1xi32>
      %multiple_of3A_42 = tpu.assume_multiple %squeeze3A_41, 8 : i32
      %add3A_43 = arith.addi %mul3A_2, %add3A_39 : i32
      %mul3A_44 = arith.constant 1024 : i32
      %mul3A_45 = arith.muli %add3A_43, %mul3A_44 : i32
      %dma_start3A_46 = tpu.memref_slice %arg5[%multiple_of3A_42] : memref<65536xi32, #tpu.memory_space<vmem>> -> memref<1024xi32, #tpu.memory_space<vmem>>
      %dma_start3A_47 = tpu.memref_slice %arg4[%mul3A_45] : memref<4194304xi32, #tpu.memory_space<hbm>> -> memref<1024xi32, #tpu.memory_space<hbm>>
      %dma_start3A_48 = tpu.memref_slice %arg4[%mul3A_45] : memref<4194304xi32, #tpu.memory_space<hbm>> -> memref<1024xi32, #tpu.memory_space<hbm>>
      %dma_start3A_49 = tpu.memref_slice %arg5[%multiple_of3A_42] : memref<65536xi32, #tpu.memory_space<vmem>> -> memref<1024xi32, #tpu.memory_space<vmem>>
      tpu.enqueue_dma source(%dma_start3A_49 : memref<1024xi32, #tpu.memory_space<vmem>>) target(%dma_start3A_48 : memref<1024xi32, #tpu.memory_space<hbm>>) target_semaphore(%arg7 : memref<!tpu.dma_semaphore, #tpu.memory_space<semaphore_mem>>)
      %add3A_50 = arith.constant 0 : i32
      %add3A_51 = arith.addi %mul3A_10, %add3A_50 : i32
      %add3A_52 = arith.constant 2 : i32
      %add3A_53 = arith.addi %add3A_51, %add3A_52 : i32
      %slice3A_54 = vector.extract_strided_slice %add3A_25 {offsets = [2], sizes = [1], strides = [1]} : vector<16xi32> to vector<1xi32>
      %squeeze3A_55 = vector.extract %slice3A_54[0] : i32 from vector<1xi32>
      %multiple_of3A_56 = tpu.assume_multiple %squeeze3A_55, 8 : i32
      %add3A_57 = arith.addi %mul3A_2, %add3A_53 : i32
      %mul3A_58 = arith.constant 1024 : i32
      %mul3A_59 = arith.muli %add3A_57, %mul3A_58 : i32
      %dma_start3A_60 = tpu.memref_slice %arg5[%multiple_of3A_56] : memref<65536xi32, #tpu.memory_space<vmem>> -> memref<1024xi32, #tpu.memory_space<vmem>>
      %dma_start3A_61 = tpu.memref_slice %arg4[%mul3A_59] : memref<4194304xi32, #tpu.memory_space<hbm>> -> memref<1024xi32, #tpu.memory_space<hbm>>
      %dma_start3A_62 = tpu.memref_slice %arg4[%mul3A_59] : memref<4194304xi32, #tpu.memory_space<hbm>> -> memref<1024xi32, #tpu.memory_space<hbm>>
      %dma_start3A_63 = tpu.memref_slice %arg5[%multiple_of3A_56] : memref<65536xi32, #tpu.memory_space<vmem>> -> memref<1024xi32, #tpu.memory_space<vmem>>
      tpu.enqueue_dma source(%dma_start3A_63 : memref<1024xi32, #tpu.memory_space<vmem>>) target(%dma_start3A_62 : memref<1024xi32, #tpu.memory_space<hbm>>) target_semaphore(%arg7 : memref<!tpu.dma_semaphore, #tpu.memory_space<semaphore_mem>>)
      %add3A_64 = arith.constant 0 : i32
      %add3A_65 = arith.addi %mul3A_10, %add3A_64 : i32
      %add3A_66 = arith.constant 3 : i32
      %add3A_67 = arith.addi %add3A_65, %add3A_66 : i32
      %slice3A_68 = vector.extract_strided_slice %add3A_25 {offsets = [3], sizes = [1], strides = [1]} : vector<16xi32> to vector<1xi32>
      %squeeze3A_69 = vector.extract %slice3A_68[0] : i32 from vector<1xi32>
      %multiple_of3A_70 = tpu.assume_multiple %squeeze3A_69, 8 : i32
      %add3A_71 = arith.addi %mul3A_2, %add3A_67 : i32
      %mul3A_72 = arith.constant 1024 : i32
      %mul3A_73 = arith.muli %add3A_71, %mul3A_72 : i32
      %dma_start3A_74 = tpu.memref_slice %arg5[%multiple_of3A_70] : memref<65536xi32, #tpu.memory_space<vmem>> -> memref<1024xi32, #tpu.memory_space<vmem>>
      %dma_start3A_75 = tpu.memref_slice %arg4[%mul3A_73] : memref<4194304xi32, #tpu.memory_space<hbm>> -> memref<1024xi32, #tpu.memory_space<hbm>>
      %dma_start3A_76 = tpu.memref_slice %arg4[%mul3A_73] : memref<4194304xi32, #tpu.memory_space<hbm>> -> memref<1024xi32, #tpu.memory_space<hbm>>
      %dma_start3A_77 = tpu.memref_slice %arg5[%multiple_of3A_70] : memref<65536xi32, #tpu.memory_space<vmem>> -> memref<1024xi32, #tpu.memory_space<vmem>>
      tpu.enqueue_dma source(%dma_start3A_77 : memref<1024xi32, #tpu.memory_space<vmem>>) target(%dma_start3A_76 : memref<1024xi32, #tpu.memory_space<hbm>>) target_semaphore(%arg7 : memref<!tpu.dma_semaphore, #tpu.memory_space<semaphore_mem>>)
      %add3A_78 = arith.constant 0 : i32
      %add3A_79 = arith.addi %mul3A_10, %add3A_78 : i32
      %add3A_80 = arith.constant 4 : i32
      %add3A_81 = arith.addi %add3A_79, %add3A_80 : i32
      %slice3A_82 = vector.extract_strided_slice %add3A_25 {offsets = [4], sizes = [1], strides = [1]} : vector<16xi32> to vector<1xi32>
      %squeeze3A_83 = vector.extract %slice3A_82[0] : i32 from vector<1xi32>
      %multiple_of3A_84 = tpu.assume_multiple %squeeze3A_83, 8 : i32
      %add3A_85 = arith.addi %mul3A_2, %add3A_81 : i32
      %mul3A_86 = arith.constant 1024 : i32
      %mul3A_87 = arith.muli %add3A_85, %mul3A_86 : i32
      %dma_start3A_88 = tpu.memref_slice %arg5[%multiple_of3A_84] : memref<65536xi32, #tpu.memory_space<vmem>> -> memref<1024xi32, #tpu.memory_space<vmem>>
      %dma_start3A_89 = tpu.memref_slice %arg4[%mul3A_87] : memref<4194304xi32, #tpu.memory_space<hbm>> -> memref<1024xi32, #tpu.memory_space<hbm>>
      %dma_start3A_90 = tpu.memref_slice %arg4[%mul3A_87] : memref<4194304xi32, #tpu.memory_space<hbm>> -> memref<1024xi32, #tpu.memory_space<hbm>>
      %dma_start3A_91 = tpu.memref_slice %arg5[%multiple_of3A_84] : memref<65536xi32, #tpu.memory_space<vmem>> -> memref<1024xi32, #tpu.memory_space<vmem>>
      tpu.enqueue_dma source(%dma_start3A_91 : memref<1024xi32, #tpu.memory_space<vmem>>) target(%dma_start3A_90 : memref<1024xi32, #tpu.memory_space<hbm>>) target_semaphore(%arg7 : memref<!tpu.dma_semaphore, #tpu.memory_space<semaphore_mem>>)
      %add3A_92 = arith.constant 0 : i32
      %add3A_93 = arith.addi %mul3A_10, %add3A_92 : i32
      %add3A_94 = arith.constant 5 : i32
      %add3A_95 = arith.addi %add3A_93, %add3A_94 : i32
      %slice3A_96 = vector.extract_strided_slice %add3A_25 {offsets = [5], sizes = [1], strides = [1]} : vector<16xi32> to vector<1xi32>
      %squeeze3A_97 = vector.extract %slice3A_96[0] : i32 from vector<1xi32>
      %multiple_of3A_98 = tpu.assume_multiple %squeeze3A_97, 8 : i32
      %add3A_99 = arith.addi %mul3A_2, %add3A_95 : i32
      %mul3A_100 = arith.constant 1024 : i32
      %mul3A_101 = arith.muli %add3A_99, %mul3A_100 : i32
      %dma_start3A_102 = tpu.memref_slice %arg5[%multiple_of3A_98] : memref<65536xi32, #tpu.memory_space<vmem>> -> memref<1024xi32, #tpu.memory_space<vmem>>
      %dma_start3A_103 = tpu.memref_slice %arg4[%mul3A_101] : memref<4194304xi32, #tpu.memory_space<hbm>> -> memref<1024xi32, #tpu.memory_space<hbm>>
      %dma_start3A_104 = tpu.memref_slice %arg4[%mul3A_101] : memref<4194304xi32, #tpu.memory_space<hbm>> -> memref<1024xi32, #tpu.memory_space<hbm>>
      %dma_start3A_105 = tpu.memref_slice %arg5[%multiple_of3A_98] : memref<65536xi32, #tpu.memory_space<vmem>> -> memref<1024xi32, #tpu.memory_space<vmem>>
      tpu.enqueue_dma source(%dma_start3A_105 : memref<1024xi32, #tpu.memory_space<vmem>>) target(%dma_start3A_104 : memref<1024xi32, #tpu.memory_space<hbm>>) target_semaphore(%arg7 : memref<!tpu.dma_semaphore, #tpu.memory_space<semaphore_mem>>)
      %add3A_106 = arith.constant 0 : i32
      %add3A_107 = arith.addi %mul3A_10, %add3A_106 : i32
      %add3A_108 = arith.constant 6 : i32
      %add3A_109 = arith.addi %add3A_107, %add3A_108 : i32
      %slice3A_110 = vector.extract_strided_slice %add3A_25 {offsets = [6], sizes = [1], strides = [1]} : vector<16xi32> to vector<1xi32>
      %squeeze3A_111 = vector.extract %slice3A_110[0] : i32 from vector<1xi32>
      %multiple_of3A_112 = tpu.assume_multiple %squeeze3A_111, 8 : i32
      %add3A_113 = arith.addi %mul3A_2, %add3A_109 : i32
      %mul3A_114 = arith.constant 1024 : i32
      %mul3A_115 = arith.muli %add3A_113, %mul3A_114 : i32
      %dma_start3A_116 = tpu.memref_slice %arg5[%multiple_of3A_112] : memref<65536xi32, #tpu.memory_space<vmem>> -> memref<1024xi32, #tpu.memory_space<vmem>>
      %dma_start3A_117 = tpu.memref_slice %arg4[%mul3A_115] : memref<4194304xi32, #tpu.memory_space<hbm>> -> memref<1024xi32, #tpu.memory_space<hbm>>
      %dma_start3A_118 = tpu.memref_slice %arg4[%mul3A_115] : memref<4194304xi32, #tpu.memory_space<hbm>> -> memref<1024xi32, #tpu.memory_space<hbm>>
      %dma_start3A_119 = tpu.memref_slice %arg5[%multiple_of3A_112] : memref<65536xi32, #tpu.memory_space<vmem>> -> memref<1024xi32, #tpu.memory_space<vmem>>
      tpu.enqueue_dma source(%dma_start3A_119 : memref<1024xi32, #tpu.memory_space<vmem>>) target(%dma_start3A_118 : memref<1024xi32, #tpu.memory_space<hbm>>) target_semaphore(%arg7 : memref<!tpu.dma_semaphore, #tpu.memory_space<semaphore_mem>>)
      %add3A_120 = arith.constant 0 : i32
      %add3A_121 = arith.addi %mul3A_10, %add3A_120 : i32
      %add3A_122 = arith.constant 7 : i32
      %add3A_123 = arith.addi %add3A_121, %add3A_122 : i32
      %slice3A_124 = vector.extract_strided_slice %add3A_25 {offsets = [7], sizes = [1], strides = [1]} : vector<16xi32> to vector<1xi32>
      %squeeze3A_125 = vector.extract %slice3A_124[0] : i32 from vector<1xi32>
      %multiple_of3A_126 = tpu.assume_multiple %squeeze3A_125, 8 : i32
      %add3A_127 = arith.addi %mul3A_2, %add3A_123 : i32
      %mul3A_128 = arith.constant 1024 : i32
      %mul3A_129 = arith.muli %add3A_127, %mul3A_128 : i32
      %dma_start3A_130 = tpu.memref_slice %arg5[%multiple_of3A_126] : memref<65536xi32, #tpu.memory_space<vmem>> -> memref<1024xi32, #tpu.memory_space<vmem>>
      %dma_start3A_131 = tpu.memref_slice %arg4[%mul3A_129] : memref<4194304xi32, #tpu.memory_space<hbm>> -> memref<1024xi32, #tpu.memory_space<hbm>>
      %dma_start3A_132 = tpu.memref_slice %arg4[%mul3A_129] : memref<4194304xi32, #tpu.memory_space<hbm>> -> memref<1024xi32, #tpu.memory_space<hbm>>
      %dma_start3A_133 = tpu.memref_slice %arg5[%multiple_of3A_126] : memref<65536xi32, #tpu.memory_space<vmem>> -> memref<1024xi32, #tpu.memory_space<vmem>>
      tpu.enqueue_dma source(%dma_start3A_133 : memref<1024xi32, #tpu.memory_space<vmem>>) target(%dma_start3A_132 : memref<1024xi32, #tpu.memory_space<hbm>>) target_semaphore(%arg7 : memref<!tpu.dma_semaphore, #tpu.memory_space<semaphore_mem>>)
      %add3A_134 = arith.constant 0 : i32
      %add3A_135 = arith.addi %mul3A_10, %add3A_134 : i32
      %add3A_136 = arith.constant 8 : i32
      %add3A_137 = arith.addi %add3A_135, %add3A_136 : i32
      %slice3A_138 = vector.extract_strided_slice %add3A_25 {offsets = [8], sizes = [1], strides = [1]} : vector<16xi32> to vector<1xi32>
      %squeeze3A_139 = vector.extract %slice3A_138[0] : i32 from vector<1xi32>
      %multiple_of3A_140 = tpu.assume_multiple %squeeze3A_139, 8 : i32
      %add3A_141 = arith.addi %mul3A_2, %add3A_137 : i32
      %mul3A_142 = arith.constant 1024 : i32
      %mul3A_143 = arith.muli %add3A_141, %mul3A_142 : i32
      %dma_start3A_144 = tpu.memref_slice %arg5[%multiple_of3A_140] : memref<65536xi32, #tpu.memory_space<vmem>> -> memref<1024xi32, #tpu.memory_space<vmem>>
      %dma_start3A_145 = tpu.memref_slice %arg4[%mul3A_143] : memref<4194304xi32, #tpu.memory_space<hbm>> -> memref<1024xi32, #tpu.memory_space<hbm>>
      %dma_start3A_146 = tpu.memref_slice %arg4[%mul3A_143] : memref<4194304xi32, #tpu.memory_space<hbm>> -> memref<1024xi32, #tpu.memory_space<hbm>>
      %dma_start3A_147 = tpu.memref_slice %arg5[%multiple_of3A_140] : memref<65536xi32, #tpu.memory_space<vmem>> -> memref<1024xi32, #tpu.memory_space<vmem>>
      tpu.enqueue_dma source(%dma_start3A_147 : memref<1024xi32, #tpu.memory_space<vmem>>) target(%dma_start3A_146 : memref<1024xi32, #tpu.memory_space<hbm>>) target_semaphore(%arg7 : memref<!tpu.dma_semaphore, #tpu.memory_space<semaphore_mem>>)
      %add3A_148 = arith.constant 0 : i32
      %add3A_149 = arith.addi %mul3A_10, %add3A_148 : i32
      %add3A_150 = arith.constant 9 : i32
      %add3A_151 = arith.addi %add3A_149, %add3A_150 : i32
      %slice3A_152 = vector.extract_strided_slice %add3A_25 {offsets = [9], sizes = [1], strides = [1]} : vector<16xi32> to vector<1xi32>
      %squeeze3A_153 = vector.extract %slice3A_152[0] : i32 from vector<1xi32>
      %multiple_of3A_154 = tpu.assume_multiple %squeeze3A_153, 8 : i32
      %add3A_155 = arith.addi %mul3A_2, %add3A_151 : i32
      %mul3A_156 = arith.constant 1024 : i32
      %mul3A_157 = arith.muli %add3A_155, %mul3A_156 : i32
      %dma_start3A_158 = tpu.memref_slice %arg5[%multiple_of3A_154] : memref<65536xi32, #tpu.memory_space<vmem>> -> memref<1024xi32, #tpu.memory_space<vmem>>
      %dma_start3A_159 = tpu.memref_slice %arg4[%mul3A_157] : memref<4194304xi32, #tpu.memory_space<hbm>> -> memref<1024xi32, #tpu.memory_space<hbm>>
      %dma_start3A_160 = tpu.memref_slice %arg4[%mul3A_157] : memref<4194304xi32, #tpu.memory_space<hbm>> -> memref<1024xi32, #tpu.memory_space<hbm>>
      %dma_start3A_161 = tpu.memref_slice %arg5[%multiple_of3A_154] : memref<65536xi32, #tpu.memory_space<vmem>> -> memref<1024xi32, #tpu.memory_space<vmem>>
      tpu.enqueue_dma source(%dma_start3A_161 : memref<1024xi32, #tpu.memory_space<vmem>>) target(%dma_start3A_160 : memref<1024xi32, #tpu.memory_space<hbm>>) target_semaphore(%arg7 : memref<!tpu.dma_semaphore, #tpu.memory_space<semaphore_mem>>)
      %add3A_162 = arith.constant 0 : i32
      %add3A_163 = arith.addi %mul3A_10, %add3A_162 : i32
      %add3A_164 = arith.constant 10 : i32
      %add3A_165 = arith.addi %add3A_163, %add3A_164 : i32
      %slice3A_166 = vector.extract_strided_slice %add3A_25 {offsets = [10], sizes = [1], strides = [1]} : vector<16xi32> to vector<1xi32>
      %squeeze3A_167 = vector.extract %slice3A_166[0] : i32 from vector<1xi32>
      %multiple_of3A_168 = tpu.assume_multiple %squeeze3A_167, 8 : i32
      %add3A_169 = arith.addi %mul3A_2, %add3A_165 : i32
      %mul3A_170 = arith.constant 1024 : i32
      %mul3A_171 = arith.muli %add3A_169, %mul3A_170 : i32
      %dma_start3A_172 = tpu.memref_slice %arg5[%multiple_of3A_168] : memref<65536xi32, #tpu.memory_space<vmem>> -> memref<1024xi32, #tpu.memory_space<vmem>>
      %dma_start3A_173 = tpu.memref_slice %arg4[%mul3A_171] : memref<4194304xi32, #tpu.memory_space<hbm>> -> memref<1024xi32, #tpu.memory_space<hbm>>
      %dma_start3A_174 = tpu.memref_slice %arg4[%mul3A_171] : memref<4194304xi32, #tpu.memory_space<hbm>> -> memref<1024xi32, #tpu.memory_space<hbm>>
      %dma_start3A_175 = tpu.memref_slice %arg5[%multiple_of3A_168] : memref<65536xi32, #tpu.memory_space<vmem>> -> memref<1024xi32, #tpu.memory_space<vmem>>
      tpu.enqueue_dma source(%dma_start3A_175 : memref<1024xi32, #tpu.memory_space<vmem>>) target(%dma_start3A_174 : memref<1024xi32, #tpu.memory_space<hbm>>) target_semaphore(%arg7 : memref<!tpu.dma_semaphore, #tpu.memory_space<semaphore_mem>>)
      %add3A_176 = arith.constant 0 : i32
      %add3A_177 = arith.addi %mul3A_10, %add3A_176 : i32
      %add3A_178 = arith.constant 11 : i32
      %add3A_179 = arith.addi %add3A_177, %add3A_178 : i32
      %slice3A_180 = vector.extract_strided_slice %add3A_25 {offsets = [11], sizes = [1], strides = [1]} : vector<16xi32> to vector<1xi32>
      %squeeze3A_181 = vector.extract %slice3A_180[0] : i32 from vector<1xi32>
      %multiple_of3A_182 = tpu.assume_multiple %squeeze3A_181, 8 : i32
      %add3A_183 = arith.addi %mul3A_2, %add3A_179 : i32
      %mul3A_184 = arith.constant 1024 : i32
      %mul3A_185 = arith.muli %add3A_183, %mul3A_184 : i32
      %dma_start3A_186 = tpu.memref_slice %arg5[%multiple_of3A_182] : memref<65536xi32, #tpu.memory_space<vmem>> -> memref<1024xi32, #tpu.memory_space<vmem>>
      %dma_start3A_187 = tpu.memref_slice %arg4[%mul3A_185] : memref<4194304xi32, #tpu.memory_space<hbm>> -> memref<1024xi32, #tpu.memory_space<hbm>>
      %dma_start3A_188 = tpu.memref_slice %arg4[%mul3A_185] : memref<4194304xi32, #tpu.memory_space<hbm>> -> memref<1024xi32, #tpu.memory_space<hbm>>
      %dma_start3A_189 = tpu.memref_slice %arg5[%multiple_of3A_182] : memref<65536xi32, #tpu.memory_space<vmem>> -> memref<1024xi32, #tpu.memory_space<vmem>>
      tpu.enqueue_dma source(%dma_start3A_189 : memref<1024xi32, #tpu.memory_space<vmem>>) target(%dma_start3A_188 : memref<1024xi32, #tpu.memory_space<hbm>>) target_semaphore(%arg7 : memref<!tpu.dma_semaphore, #tpu.memory_space<semaphore_mem>>)
      %add3A_190 = arith.constant 0 : i32
      %add3A_191 = arith.addi %mul3A_10, %add3A_190 : i32
      %add3A_192 = arith.constant 12 : i32
      %add3A_193 = arith.addi %add3A_191, %add3A_192 : i32
      %slice3A_194 = vector.extract_strided_slice %add3A_25 {offsets = [12], sizes = [1], strides = [1]} : vector<16xi32> to vector<1xi32>
      %squeeze3A_195 = vector.extract %slice3A_194[0] : i32 from vector<1xi32>
      %multiple_of3A_196 = tpu.assume_multiple %squeeze3A_195, 8 : i32
      %add3A_197 = arith.addi %mul3A_2, %add3A_193 : i32
      %mul3A_198 = arith.constant 1024 : i32
      %mul3A_199 = arith.muli %add3A_197, %mul3A_198 : i32
      %dma_start3A_200 = tpu.memref_slice %arg5[%multiple_of3A_196] : memref<65536xi32, #tpu.memory_space<vmem>> -> memref<1024xi32, #tpu.memory_space<vmem>>
      %dma_start3A_201 = tpu.memref_slice %arg4[%mul3A_199] : memref<4194304xi32, #tpu.memory_space<hbm>> -> memref<1024xi32, #tpu.memory_space<hbm>>
      %dma_start3A_202 = tpu.memref_slice %arg4[%mul3A_199] : memref<4194304xi32, #tpu.memory_space<hbm>> -> memref<1024xi32, #tpu.memory_space<hbm>>
      %dma_start3A_203 = tpu.memref_slice %arg5[%multiple_of3A_196] : memref<65536xi32, #tpu.memory_space<vmem>> -> memref<1024xi32, #tpu.memory_space<vmem>>
      tpu.enqueue_dma source(%dma_start3A_203 : memref<1024xi32, #tpu.memory_space<vmem>>) target(%dma_start3A_202 : memref<1024xi32, #tpu.memory_space<hbm>>) target_semaphore(%arg7 : memref<!tpu.dma_semaphore, #tpu.memory_space<semaphore_mem>>)
      %add3A_204 = arith.constant 0 : i32
      %add3A_205 = arith.addi %mul3A_10, %add3A_204 : i32
      %add3A_206 = arith.constant 13 : i32
      %add3A_207 = arith.addi %add3A_205, %add3A_206 : i32
      %slice3A_208 = vector.extract_strided_slice %add3A_25 {offsets = [13], sizes = [1], strides = [1]} : vector<16xi32> to vector<1xi32>
      %squeeze3A_209 = vector.extract %slice3A_208[0] : i32 from vector<1xi32>
      %multiple_of3A_210 = tpu.assume_multiple %squeeze3A_209, 8 : i32
      %add3A_211 = arith.addi %mul3A_2, %add3A_207 : i32
      %mul3A_212 = arith.constant 1024 : i32
      %mul3A_213 = arith.muli %add3A_211, %mul3A_212 : i32
      %dma_start3A_214 = tpu.memref_slice %arg5[%multiple_of3A_210] : memref<65536xi32, #tpu.memory_space<vmem>> -> memref<1024xi32, #tpu.memory_space<vmem>>
      %dma_start3A_215 = tpu.memref_slice %arg4[%mul3A_213] : memref<4194304xi32, #tpu.memory_space<hbm>> -> memref<1024xi32, #tpu.memory_space<hbm>>
      %dma_start3A_216 = tpu.memref_slice %arg4[%mul3A_213] : memref<4194304xi32, #tpu.memory_space<hbm>> -> memref<1024xi32, #tpu.memory_space<hbm>>
      %dma_start3A_217 = tpu.memref_slice %arg5[%multiple_of3A_210] : memref<65536xi32, #tpu.memory_space<vmem>> -> memref<1024xi32, #tpu.memory_space<vmem>>
      tpu.enqueue_dma source(%dma_start3A_217 : memref<1024xi32, #tpu.memory_space<vmem>>) target(%dma_start3A_216 : memref<1024xi32, #tpu.memory_space<hbm>>) target_semaphore(%arg7 : memref<!tpu.dma_semaphore, #tpu.memory_space<semaphore_mem>>)
      %add3A_218 = arith.constant 0 : i32
      %add3A_219 = arith.addi %mul3A_10, %add3A_218 : i32
      %add3A_220 = arith.constant 14 : i32
      %add3A_221 = arith.addi %add3A_219, %add3A_220 : i32
      %slice3A_222 = vector.extract_strided_slice %add3A_25 {offsets = [14], sizes = [1], strides = [1]} : vector<16xi32> to vector<1xi32>
      %squeeze3A_223 = vector.extract %slice3A_222[0] : i32 from vector<1xi32>
      %multiple_of3A_224 = tpu.assume_multiple %squeeze3A_223, 8 : i32
      %add3A_225 = arith.addi %mul3A_2, %add3A_221 : i32
      %mul3A_226 = arith.constant 1024 : i32
      %mul3A_227 = arith.muli %add3A_225, %mul3A_226 : i32
      %dma_start3A_228 = tpu.memref_slice %arg5[%multiple_of3A_224] : memref<65536xi32, #tpu.memory_space<vmem>> -> memref<1024xi32, #tpu.memory_space<vmem>>
      %dma_start3A_229 = tpu.memref_slice %arg4[%mul3A_227] : memref<4194304xi32, #tpu.memory_space<hbm>> -> memref<1024xi32, #tpu.memory_space<hbm>>
      %dma_start3A_230 = tpu.memref_slice %arg4[%mul3A_227] : memref<4194304xi32, #tpu.memory_space<hbm>> -> memref<1024xi32, #tpu.memory_space<hbm>>
      %dma_start3A_231 = tpu.memref_slice %arg5[%multiple_of3A_224] : memref<65536xi32, #tpu.memory_space<vmem>> -> memref<1024xi32, #tpu.memory_space<vmem>>
      tpu.enqueue_dma source(%dma_start3A_231 : memref<1024xi32, #tpu.memory_space<vmem>>) target(%dma_start3A_230 : memref<1024xi32, #tpu.memory_space<hbm>>) target_semaphore(%arg7 : memref<!tpu.dma_semaphore, #tpu.memory_space<semaphore_mem>>)
      %add3A_232 = arith.constant 0 : i32
      %add3A_233 = arith.addi %mul3A_10, %add3A_232 : i32
      %add3A_234 = arith.constant 15 : i32
      %add3A_235 = arith.addi %add3A_233, %add3A_234 : i32
      %slice3A_236 = vector.extract_strided_slice %add3A_25 {offsets = [15], sizes = [1], strides = [1]} : vector<16xi32> to vector<1xi32>
      %squeeze3A_237 = vector.extract %slice3A_236[0] : i32 from vector<1xi32>
      %multiple_of3A_238 = tpu.assume_multiple %squeeze3A_237, 8 : i32
      %add3A_239 = arith.addi %mul3A_2, %add3A_235 : i32
      %mul3A_240 = arith.constant 1024 : i32
      %mul3A_241 = arith.muli %add3A_239, %mul3A_240 : i32
      %dma_start3A_242 = tpu.memref_slice %arg5[%multiple_of3A_238] : memref<65536xi32, #tpu.memory_space<vmem>> -> memref<1024xi32, #tpu.memory_space<vmem>>
      %dma_start3A_243 = tpu.memref_slice %arg4[%mul3A_241] : memref<4194304xi32, #tpu.memory_space<hbm>> -> memref<1024xi32, #tpu.memory_space<hbm>>
      %dma_start3A_244 = tpu.memref_slice %arg4[%mul3A_241] : memref<4194304xi32, #tpu.memory_space<hbm>> -> memref<1024xi32, #tpu.memory_space<hbm>>
      %dma_start3A_245 = tpu.memref_slice %arg5[%multiple_of3A_238] : memref<65536xi32, #tpu.memory_space<vmem>> -> memref<1024xi32, #tpu.memory_space<vmem>>
      tpu.enqueue_dma source(%dma_start3A_245 : memref<1024xi32, #tpu.memory_space<vmem>>) target(%dma_start3A_244 : memref<1024xi32, #tpu.memory_space<hbm>>) target_semaphore(%arg7 : memref<!tpu.dma_semaphore, #tpu.memory_space<semaphore_mem>>)
      %add3A_246 = arith.constant 16 : i32
      %add3A_247 = arith.addi %mul3A_10, %add3A_246 : i32
      %get3A_248 = arith.index_cast %add3A_247 : i32 to index
      %get3A_249 = tpu.vector_load %arg6[%get3A_248] {strides = array<i32>} : memref<128xi32, #tpu.memory_space<vmem>>, vector<16xi32>,
      %get3A_250 = vector.shape_cast %get3A_249 : vector<16xi32> to vector<16xi32>
      %sub3A_251 = arith.constant 4095 : i32
      %sub3A_252 = vector.broadcast %sub3A_251 : i32 to vector<16xi32>
      %sub3A_253 = arith.subi %sub3A_252, %get3A_250 : vector<16xi32>
      %rem3A_254 = arith.constant 32 : i32
      %rem3A_255 = vector.broadcast %rem3A_254 : i32 to vector<16xi32>
      %rem3A_256 = arith.remsi %sub3A_253, %rem3A_255 : vector<16xi32>
      %mul3A_257 = arith.constant 2048 : i32
      %mul3A_258 = vector.broadcast %mul3A_257 : i32 to vector<16xi32>
      %mul3A_259 = arith.muli %rem3A_256, %mul3A_258 : vector<16xi32>
      %sub3A_260 = arith.subi %sub3A_253, %rem3A_256 : vector<16xi32>
      %shift_right_logical3A_261 = arith.constant 2 : i32
      %shift_right_logical3A_262 = vector.broadcast %shift_right_logical3A_261 : i32 to vector<16xi32>
      %shift_right_logical3A_263 = arith.shrui %sub3A_260, %shift_right_logical3A_262 : vector<16xi32>
      %add3A_264 = arith.addi %mul3A_259, %shift_right_logical3A_263 : vector<16xi32>
      %add3A_265 = arith.constant 16 : i32
      %add3A_266 = arith.addi %mul3A_10, %add3A_265 : i32
      %add3A_267 = arith.constant 0 : i32
      %add3A_268 = arith.addi %add3A_266, %add3A_267 : i32
      %slice3A_269 = vector.extract_strided_slice %add3A_264 {offsets = [0], sizes = [1], strides = [1]} : vector<16xi32> to vector<1xi32>
      %squeeze3A_270 = vector.extract %slice3A_269[0] : i32 from vector<1xi32>
      %multiple_of3A_271 = tpu.assume_multiple %squeeze3A_270, 8 : i32
      %add3A_272 = arith.addi %mul3A_2, %add3A_268 : i32
      %mul3A_273 = arith.constant 1024 : i32
      %mul3A_274 = arith.muli %add3A_272, %mul3A_273 : i32
      %dma_start3A_275 = tpu.memref_slice %arg5[%multiple_of3A_271] : memref<65536xi32, #tpu.memory_space<vmem>> -> memref<1024xi32, #tpu.memory_space<vmem>>
      %dma_start3A_276 = tpu.memref_slice %arg4[%mul3A_274] : memref<4194304xi32, #tpu.memory_space<hbm>> -> memref<1024xi32, #tpu.memory_space<hbm>>
      %dma_start3A_277 = tpu.memref_slice %arg4[%mul3A_274] : memref<4194304xi32, #tpu.memory_space<hbm>> -> memref<1024xi32, #tpu.memory_space<hbm>>
      %dma_start3A_278 = tpu.memref_slice %arg5[%multiple_of3A_271] : memref<65536xi32, #tpu.memory_space<vmem>> -> memref<1024xi32, #tpu.memory_space<vmem>>
      tpu.enqueue_dma source(%dma_start3A_278 : memref<1024xi32, #tpu.memory_space<vmem>>) target(%dma_start3A_277 : memref<1024xi32, #tpu.memory_space<hbm>>) target_semaphore(%arg7 : memref<!tpu.dma_semaphore, #tpu.memory_space<semaphore_mem>>)
      %add3A_279 = arith.constant 16 : i32
      %add3A_280 = arith.addi %mul3A_10, %add3A_279 : i32
      %add3A_281 = arith.constant 1 : i32
      %add3A_282 = arith.addi %add3A_280, %add3A_281 : i32
      %slice3A_283 = vector.extract_strided_slice %add3A_264 {offsets = [1], sizes = [1], strides = [1]} : vector<16xi32> to vector<1xi32>
      %squeeze3A_284 = vector.extract %slice3A_283[0] : i32 from vector<1xi32>
      %multiple_of3A_285 = tpu.assume_multiple %squeeze3A_284, 8 : i32
      %add3A_286 = arith.addi %mul3A_2, %add3A_282 : i32
      %mul3A_287 = arith.constant 1024 : i32
      %mul3A_288 = arith.muli %add3A_286, %mul3A_287 : i32
      %dma_start3A_289 = tpu.memref_slice %arg5[%multiple_of3A_285] : memref<65536xi32, #tpu.memory_space<vmem>> -> memref<1024xi32, #tpu.memory_space<vmem>>
      %dma_start3A_290 = tpu.memref_slice %arg4[%mul3A_288] : memref<4194304xi32, #tpu.memory_space<hbm>> -> memref<1024xi32, #tpu.memory_space<hbm>>
      %dma_start3A_291 = tpu.memref_slice %arg4[%mul3A_288] : memref<4194304xi32, #tpu.memory_space<hbm>> -> memref<1024xi32, #tpu.memory_space<hbm>>
      %dma_start3A_292 = tpu.memref_slice %arg5[%multiple_of3A_285] : memref<65536xi32, #tpu.memory_space<vmem>> -> memref<1024xi32, #tpu.memory_space<vmem>>
      tpu.enqueue_dma source(%dma_start3A_292 : memref<1024xi32, #tpu.memory_space<vmem>>) target(%dma_start3A_291 : memref<1024xi32, #tpu.memory_space<hbm>>) target_semaphore(%arg7 : memref<!tpu.dma_semaphore, #tpu.memory_space<semaphore_mem>>)
      %add3A_293 = arith.constant 16 : i32
      %add3A_294 = arith.addi %mul3A_10, %add3A_293 : i32
      %add3A_295 = arith.constant 2 : i32
      %add3A_296 = arith.addi %add3A_294, %add3A_295 : i32
      %slice3A_297 = vector.extract_strided_slice %add3A_264 {offsets = [2], sizes = [1], strides = [1]} : vector<16xi32> to vector<1xi32>
      %squeeze3A_298 = vector.extract %slice3A_297[0] : i32 from vector<1xi32>
      %multiple_of3A_299 = tpu.assume_multiple %squeeze3A_298, 8 : i32
      %add3A_300 = arith.addi %mul3A_2, %add3A_296 : i32
      %mul3A_301 = arith.constant 1024 : i32
      %mul3A_302 = arith.muli %add3A_300, %mul3A_301 : i32
      %dma_start3A_303 = tpu.memref_slice %arg5[%multiple_of3A_299] : memref<65536xi32, #tpu.memory_space<vmem>> -> memref<1024xi32, #tpu.memory_space<vmem>>
      %dma_start3A_304 = tpu.memref_slice %arg4[%mul3A_302] : memref<4194304xi32, #tpu.memory_space<hbm>> -> memref<1024xi32, #tpu.memory_space<hbm>>
      %dma_start3A_305 = tpu.memref_slice %arg4[%mul3A_302] : memref<4194304xi32, #tpu.memory_space<hbm>> -> memref<1024xi32, #tpu.memory_space<hbm>>
      %dma_start3A_306 = tpu.memref_slice %arg5[%multiple_of3A_299] : memref<65536xi32, #tpu.memory_space<vmem>> -> memref<1024xi32, #tpu.memory_space<vmem>>
      tpu.enqueue_dma source(%dma_start3A_306 : memref<1024xi32, #tpu.memory_space<vmem>>) target(%dma_start3A_305 : memref<1024xi32, #tpu.memory_space<hbm>>) target_semaphore(%arg7 : memref<!tpu.dma_semaphore, #tpu.memory_space<semaphore_mem>>)
      %add3A_307 = arith.constant 16 : i32
      %add3A_308 = arith.addi %mul3A_10, %add3A_307 : i32
      %add3A_309 = arith.constant 3 : i32
      %add3A_310 = arith.addi %add3A_308, %add3A_309 : i32
      %slice3A_311 = vector.extract_strided_slice %add3A_264 {offsets = [3], sizes = [1], strides = [1]} : vector<16xi32> to vector<1xi32>
      %squeeze3A_312 = vector.extract %slice3A_311[0] : i32 from vector<1xi32>
      %multiple_of3A_313 = tpu.assume_multiple %squeeze3A_312, 8 : i32
      %add3A_314 = arith.addi %mul3A_2, %add3A_310 : i32
      %mul3A_315 = arith.constant 1024 : i32
      %mul3A_316 = arith.muli %add3A_314, %mul3A_315 : i32
      %dma_start3A_317 = tpu.memref_slice %arg5[%multiple_of3A_313] : memref<65536xi32, #tpu.memory_space<vmem>> -> memref<1024xi32, #tpu.memory_space<vmem>>
      %dma_start3A_318 = tpu.memref_slice %arg4[%mul3A_316] : memref<4194304xi32, #tpu.memory_space<hbm>> -> memref<1024xi32, #tpu.memory_space<hbm>>
      %dma_start3A_319 = tpu.memref_slice %arg4[%mul3A_316] : memref<4194304xi32, #tpu.memory_space<hbm>> -> memref<1024xi32, #tpu.memory_space<hbm>>
      %dma_start3A_320 = tpu.memref_slice %arg5[%multiple_of3A_313] : memref<65536xi32, #tpu.memory_space<vmem>> -> memref<1024xi32, #tpu.memory_space<vmem>>
      tpu.enqueue_dma source(%dma_start3A_320 : memref<1024xi32, #tpu.memory_space<vmem>>) target(%dma_start3A_319 : memref<1024xi32, #tpu.memory_space<hbm>>) target_semaphore(%arg7 : memref<!tpu.dma_semaphore, #tpu.memory_space<semaphore_mem>>)
      %add3A_321 = arith.constant 16 : i32
      %add3A_322 = arith.addi %mul3A_10, %add3A_321 : i32
      %add3A_323 = arith.constant 4 : i32
      %add3A_324 = arith.addi %add3A_322, %add3A_323 : i32
      %slice3A_325 = vector.extract_strided_slice %add3A_264 {offsets = [4], sizes = [1], strides = [1]} : vector<16xi32> to vector<1xi32>
      %squeeze3A_326 = vector.extract %slice3A_325[0] : i32 from vector<1xi32>
      %multiple_of3A_327 = tpu.assume_multiple %squeeze3A_326, 8 : i32
      %add3A_328 = arith.addi %mul3A_2, %add3A_324 : i32
      %mul3A_329 = arith.constant 1024 : i32
      %mul3A_330 = arith.muli %add3A_328, %mul3A_329 : i32
      %dma_start3A_331 = tpu.memref_slice %arg5[%multiple_of3A_327] : memref<65536xi32, #tpu.memory_space<vmem>> -> memref<1024xi32, #tpu.memory_space<vmem>>
      %dma_start3A_332 = tpu.memref_slice %arg4[%mul3A_330] : memref<4194304xi32, #tpu.memory_space<hbm>> -> memref<1024xi32, #tpu.memory_space<hbm>>
      %dma_start3A_333 = tpu.memref_slice %arg4[%mul3A_330] : memref<4194304xi32, #tpu.memory_space<hbm>> -> memref<1024xi32, #tpu.memory_space<hbm>>
      %dma_start3A_334 = tpu.memref_slice %arg5[%multiple_of3A_327] : memref<65536xi32, #tpu.memory_space<vmem>> -> memref<1024xi32, #tpu.memory_space<vmem>>
      tpu.enqueue_dma source(%dma_start3A_334 : memref<1024xi32, #tpu.memory_space<vmem>>) target(%dma_start3A_333 : memref<1024xi32, #tpu.memory_space<hbm>>) target_semaphore(%arg7 : memref<!tpu.dma_semaphore, #tpu.memory_space<semaphore_mem>>)
      %add3A_335 = arith.constant 16 : i32
      %add3A_336 = arith.addi %mul3A_10, %add3A_335 : i32
      %add3A_337 = arith.constant 5 : i32
      %add3A_338 = arith.addi %add3A_336, %add3A_337 : i32
      %slice3A_339 = vector.extract_strided_slice %add3A_264 {offsets = [5], sizes = [1], strides = [1]} : vector<16xi32> to vector<1xi32>
      %squeeze3A_340 = vector.extract %slice3A_339[0] : i32 from vector<1xi32>
      %multiple_of3A_341 = tpu.assume_multiple %squeeze3A_340, 8 : i32
      %add3A_342 = arith.addi %mul3A_2, %add3A_338 : i32
      %mul3A_343 = arith.constant 1024 : i32
      %mul3A_344 = arith.muli %add3A_342, %mul3A_343 : i32
      %dma_start3A_345 = tpu.memref_slice %arg5[%multiple_of3A_341] : memref<65536xi32, #tpu.memory_space<vmem>> -> memref<1024xi32, #tpu.memory_space<vmem>>
      %dma_start3A_346 = tpu.memref_slice %arg4[%mul3A_344] : memref<4194304xi32, #tpu.memory_space<hbm>> -> memref<1024xi32, #tpu.memory_space<hbm>>
      %dma_start3A_347 = tpu.memref_slice %arg4[%mul3A_344] : memref<4194304xi32, #tpu.memory_space<hbm>> -> memref<1024xi32, #tpu.memory_space<hbm>>
      %dma_start3A_348 = tpu.memref_slice %arg5[%multiple_of3A_341] : memref<65536xi32, #tpu.memory_space<vmem>> -> memref<1024xi32, #tpu.memory_space<vmem>>
      tpu.enqueue_dma source(%dma_start3A_348 : memref<1024xi32, #tpu.memory_space<vmem>>) target(%dma_start3A_347 : memref<1024xi32, #tpu.memory_space<hbm>>) target_semaphore(%arg7 : memref<!tpu.dma_semaphore, #tpu.memory_space<semaphore_mem>>)
      %add3A_349 = arith.constant 16 : i32
      %add3A_350 = arith.addi %mul3A_10, %add3A_349 : i32
      %add3A_351 = arith.constant 6 : i32
      %add3A_352 = arith.addi %add3A_350, %add3A_351 : i32
      %slice3A_353 = vector.extract_strided_slice %add3A_264 {offsets = [6], sizes = [1], strides = [1]} : vector<16xi32> to vector<1xi32>
      %squeeze3A_354 = vector.extract %slice3A_353[0] : i32 from vector<1xi32>
      %multiple_of3A_355 = tpu.assume_multiple %squeeze3A_354, 8 : i32
      %add3A_356 = arith.addi %mul3A_2, %add3A_352 : i32
      %mul3A_357 = arith.constant 1024 : i32
      %mul3A_358 = arith.muli %add3A_356, %mul3A_357 : i32
      %dma_start3A_359 = tpu.memref_slice %arg5[%multiple_of3A_355] : memref<65536xi32, #tpu.memory_space<vmem>> -> memref<1024xi32, #tpu.memory_space<vmem>>
      %dma_start3A_360 = tpu.memref_slice %arg4[%mul3A_358] : memref<4194304xi32, #tpu.memory_space<hbm>> -> memref<1024xi32, #tpu.memory_space<hbm>>
      %dma_start3A_361 = tpu.memref_slice %arg4[%mul3A_358] : memref<4194304xi32, #tpu.memory_space<hbm>> -> memref<1024xi32, #tpu.memory_space<hbm>>
      %dma_start3A_362 = tpu.memref_slice %arg5[%multiple_of3A_355] : memref<65536xi32, #tpu.memory_space<vmem>> -> memref<1024xi32, #tpu.memory_space<vmem>>
      tpu.enqueue_dma source(%dma_start3A_362 : memref<1024xi32, #tpu.memory_space<vmem>>) target(%dma_start3A_361 : memref<1024xi32, #tpu.memory_space<hbm>>) target_semaphore(%arg7 : memref<!tpu.dma_semaphore, #tpu.memory_space<semaphore_mem>>)
      %add3A_363 = arith.constant 16 : i32
      %add3A_364 = arith.addi %mul3A_10, %add3A_363 : i32
      %add3A_365 = arith.constant 7 : i32
      %add3A_366 = arith.addi %add3A_364, %add3A_365 : i32
      %slice3A_367 = vector.extract_strided_slice %add3A_264 {offsets = [7], sizes = [1], strides = [1]} : vector<16xi32> to vector<1xi32>
      %squeeze3A_368 = vector.extract %slice3A_367[0] : i32 from vector<1xi32>
      %multiple_of3A_369 = tpu.assume_multiple %squeeze3A_368, 8 : i32
      %add3A_370 = arith.addi %mul3A_2, %add3A_366 : i32
      %mul3A_371 = arith.constant 1024 : i32
      %mul3A_372 = arith.muli %add3A_370, %mul3A_371 : i32
      %dma_start3A_373 = tpu.memref_slice %arg5[%multiple_of3A_369] : memref<65536xi32, #tpu.memory_space<vmem>> -> memref<1024xi32, #tpu.memory_space<vmem>>
      %dma_start3A_374 = tpu.memref_slice %arg4[%mul3A_372] : memref<4194304xi32, #tpu.memory_space<hbm>> -> memref<1024xi32, #tpu.memory_space<hbm>>
      %dma_start3A_375 = tpu.memref_slice %arg4[%mul3A_372] : memref<4194304xi32, #tpu.memory_space<hbm>> -> memref<1024xi32, #tpu.memory_space<hbm>>
      %dma_start3A_376 = tpu.memref_slice %arg5[%multiple_of3A_369] : memref<65536xi32, #tpu.memory_space<vmem>> -> memref<1024xi32, #tpu.memory_space<vmem>>
      tpu.enqueue_dma source(%dma_start3A_376 : memref<1024xi32, #tpu.memory_space<vmem>>) target(%dma_start3A_375 : memref<1024xi32, #tpu.memory_space<hbm>>) target_semaphore(%arg7 : memref<!tpu.dma_semaphore, #tpu.memory_space<semaphore_mem>>)
      %add3A_377 = arith.constant 16 : i32
      %add3A_378 = arith.addi %mul3A_10, %add3A_377 : i32
      %add3A_379 = arith.constant 8 : i32
      %add3A_380 = arith.addi %add3A_378, %add3A_379 : i32
      %slice3A_381 = vector.extract_strided_slice %add3A_264 {offsets = [8], sizes = [1], strides = [1]} : vector<16xi32> to vector<1xi32>
      %squeeze3A_382 = vector.extract %slice3A_381[0] : i32 from vector<1xi32>
      %multiple_of3A_383 = tpu.assume_multiple %squeeze3A_382, 8 : i32
      %add3A_384 = arith.addi %mul3A_2, %add3A_380 : i32
      %mul3A_385 = arith.constant 1024 : i32
      %mul3A_386 = arith.muli %add3A_384, %mul3A_385 : i32
      %dma_start3A_387 = tpu.memref_slice %arg5[%multiple_of3A_383] : memref<65536xi32, #tpu.memory_space<vmem>> -> memref<1024xi32, #tpu.memory_space<vmem>>
      %dma_start3A_388 = tpu.memref_slice %arg4[%mul3A_386] : memref<4194304xi32, #tpu.memory_space<hbm>> -> memref<1024xi32, #tpu.memory_space<hbm>>
      %dma_start3A_389 = tpu.memref_slice %arg4[%mul3A_386] : memref<4194304xi32, #tpu.memory_space<hbm>> -> memref<1024xi32, #tpu.memory_space<hbm>>
      %dma_start3A_390 = tpu.memref_slice %arg5[%multiple_of3A_383] : memref<65536xi32, #tpu.memory_space<vmem>> -> memref<1024xi32, #tpu.memory_space<vmem>>
      tpu.enqueue_dma source(%dma_start3A_390 : memref<1024xi32, #tpu.memory_space<vmem>>) target(%dma_start3A_389 : memref<1024xi32, #tpu.memory_space<hbm>>) target_semaphore(%arg7 : memref<!tpu.dma_semaphore, #tpu.memory_space<semaphore_mem>>)
      %add3A_391 = arith.constant 16 : i32
      %add3A_392 = arith.addi %mul3A_10, %add3A_391 : i32
      %add3A_393 = arith.constant 9 : i32
      %add3A_394 = arith.addi %add3A_392, %add3A_393 : i32
      %slice3A_395 = vector.extract_strided_slice %add3A_264 {offsets = [9], sizes = [1], strides = [1]} : vector<16xi32> to vector<1xi32>
      %squeeze3A_396 = vector.extract %slice3A_395[0] : i32 from vector<1xi32>
      %multiple_of3A_397 = tpu.assume_multiple %squeeze3A_396, 8 : i32
      %add3A_398 = arith.addi %mul3A_2, %add3A_394 : i32
      %mul3A_399 = arith.constant 1024 : i32
      %mul3A_400 = arith.muli %add3A_398, %mul3A_399 : i32
      %dma_start3A_401 = tpu.memref_slice %arg5[%multiple_of3A_397] : memref<65536xi32, #tpu.memory_space<vmem>> -> memref<1024xi32, #tpu.memory_space<vmem>>
      %dma_start3A_402 = tpu.memref_slice %arg4[%mul3A_400] : memref<4194304xi32, #tpu.memory_space<hbm>> -> memref<1024xi32, #tpu.memory_space<hbm>>
      %dma_start3A_403 = tpu.memref_slice %arg4[%mul3A_400] : memref<4194304xi32, #tpu.memory_space<hbm>> -> memref<1024xi32, #tpu.memory_space<hbm>>
      %dma_start3A_404 = tpu.memref_slice %arg5[%multiple_of3A_397] : memref<65536xi32, #tpu.memory_space<vmem>> -> memref<1024xi32, #tpu.memory_space<vmem>>
      tpu.enqueue_dma source(%dma_start3A_404 : memref<1024xi32, #tpu.memory_space<vmem>>) target(%dma_start3A_403 : memref<1024xi32, #tpu.memory_space<hbm>>) target_semaphore(%arg7 : memref<!tpu.dma_semaphore, #tpu.memory_space<semaphore_mem>>)
      %add3A_405 = arith.constant 16 : i32
      %add3A_406 = arith.addi %mul3A_10, %add3A_405 : i32
      %add3A_407 = arith.constant 10 : i32
      %add3A_408 = arith.addi %add3A_406, %add3A_407 : i32
      %slice3A_409 = vector.extract_strided_slice %add3A_264 {offsets = [10], sizes = [1], strides = [1]} : vector<16xi32> to vector<1xi32>
      %squeeze3A_410 = vector.extract %slice3A_409[0] : i32 from vector<1xi32>
      %multiple_of3A_411 = tpu.assume_multiple %squeeze3A_410, 8 : i32
      %add3A_412 = arith.addi %mul3A_2, %add3A_408 : i32
      %mul3A_413 = arith.constant 1024 : i32
      %mul3A_414 = arith.muli %add3A_412, %mul3A_413 : i32
      %dma_start3A_415 = tpu.memref_slice %arg5[%multiple_of3A_411] : memref<65536xi32, #tpu.memory_space<vmem>> -> memref<1024xi32, #tpu.memory_space<vmem>>
      %dma_start3A_416 = tpu.memref_slice %arg4[%mul3A_414] : memref<4194304xi32, #tpu.memory_space<hbm>> -> memref<1024xi32, #tpu.memory_space<hbm>>
      %dma_start3A_417 = tpu.memref_slice %arg4[%mul3A_414] : memref<4194304xi32, #tpu.memory_space<hbm>> -> memref<1024xi32, #tpu.memory_space<hbm>>
      %dma_start3A_418 = tpu.memref_slice %arg5[%multiple_of3A_411] : memref<65536xi32, #tpu.memory_space<vmem>> -> memref<1024xi32, #tpu.memory_space<vmem>>
      tpu.enqueue_dma source(%dma_start3A_418 : memref<1024xi32, #tpu.memory_space<vmem>>) target(%dma_start3A_417 : memref<1024xi32, #tpu.memory_space<hbm>>) target_semaphore(%arg7 : memref<!tpu.dma_semaphore, #tpu.memory_space<semaphore_mem>>)
      %add3A_419 = arith.constant 16 : i32
      %add3A_420 = arith.addi %mul3A_10, %add3A_419 : i32
      %add3A_421 = arith.constant 11 : i32
      %add3A_422 = arith.addi %add3A_420, %add3A_421 : i32
      %slice3A_423 = vector.extract_strided_slice %add3A_264 {offsets = [11], sizes = [1], strides = [1]} : vector<16xi32> to vector<1xi32>
      %squeeze3A_424 = vector.extract %slice3A_423[0] : i32 from vector<1xi32>
      %multiple_of3A_425 = tpu.assume_multiple %squeeze3A_424, 8 : i32
      %add3A_426 = arith.addi %mul3A_2, %add3A_422 : i32
      %mul3A_427 = arith.constant 1024 : i32
      %mul3A_428 = arith.muli %add3A_426, %mul3A_427 : i32
      %dma_start3A_429 = tpu.memref_slice %arg5[%multiple_of3A_425] : memref<65536xi32, #tpu.memory_space<vmem>> -> memref<1024xi32, #tpu.memory_space<vmem>>
      %dma_start3A_430 = tpu.memref_slice %arg4[%mul3A_428] : memref<4194304xi32, #tpu.memory_space<hbm>> -> memref<1024xi32, #tpu.memory_space<hbm>>
      %dma_start3A_431 = tpu.memref_slice %arg4[%mul3A_428] : memref<4194304xi32, #tpu.memory_space<hbm>> -> memref<1024xi32, #tpu.memory_space<hbm>>
      %dma_start3A_432 = tpu.memref_slice %arg5[%multiple_of3A_425] : memref<65536xi32, #tpu.memory_space<vmem>> -> memref<1024xi32, #tpu.memory_space<vmem>>
      tpu.enqueue_dma source(%dma_start3A_432 : memref<1024xi32, #tpu.memory_space<vmem>>) target(%dma_start3A_431 : memref<1024xi32, #tpu.memory_space<hbm>>) target_semaphore(%arg7 : memref<!tpu.dma_semaphore, #tpu.memory_space<semaphore_mem>>)
      %add3A_433 = arith.constant 16 : i32
      %add3A_434 = arith.addi %mul3A_10, %add3A_433 : i32
      %add3A_435 = arith.constant 12 : i32
      %add3A_436 = arith.addi %add3A_434, %add3A_435 : i32
      %slice3A_437 = vector.extract_strided_slice %add3A_264 {offsets = [12], sizes = [1], strides = [1]} : vector<16xi32> to vector<1xi32>
      %squeeze3A_438 = vector.extract %slice3A_437[0] : i32 from vector<1xi32>
      %multiple_of3A_439 = tpu.assume_multiple %squeeze3A_438, 8 : i32
      %add3A_440 = arith.addi %mul3A_2, %add3A_436 : i32
      %mul3A_441 = arith.constant 1024 : i32
      %mul3A_442 = arith.muli %add3A_440, %mul3A_441 : i32
      %dma_start3A_443 = tpu.memref_slice %arg5[%multiple_of3A_439] : memref<65536xi32, #tpu.memory_space<vmem>> -> memref<1024xi32, #tpu.memory_space<vmem>>
      %dma_start3A_444 = tpu.memref_slice %arg4[%mul3A_442] : memref<4194304xi32, #tpu.memory_space<hbm>> -> memref<1024xi32, #tpu.memory_space<hbm>>
      %dma_start3A_445 = tpu.memref_slice %arg4[%mul3A_442] : memref<4194304xi32, #tpu.memory_space<hbm>> -> memref<1024xi32, #tpu.memory_space<hbm>>
      %dma_start3A_446 = tpu.memref_slice %arg5[%multiple_of3A_439] : memref<65536xi32, #tpu.memory_space<vmem>> -> memref<1024xi32, #tpu.memory_space<vmem>>
      tpu.enqueue_dma source(%dma_start3A_446 : memref<1024xi32, #tpu.memory_space<vmem>>) target(%dma_start3A_445 : memref<1024xi32, #tpu.memory_space<hbm>>) target_semaphore(%arg7 : memref<!tpu.dma_semaphore, #tpu.memory_space<semaphore_mem>>)
      %add3A_447 = arith.constant 16 : i32
      %add3A_448 = arith.addi %mul3A_10, %add3A_447 : i32
      %add3A_449 = arith.constant 13 : i32
      %add3A_450 = arith.addi %add3A_448, %add3A_449 : i32
      %slice3A_451 = vector.extract_strided_slice %add3A_264 {offsets = [13], sizes = [1], strides = [1]} : vector<16xi32> to vector<1xi32>
      %squeeze3A_452 = vector.extract %slice3A_451[0] : i32 from vector<1xi32>
      %multiple_of3A_453 = tpu.assume_multiple %squeeze3A_452, 8 : i32
      %add3A_454 = arith.addi %mul3A_2, %add3A_450 : i32
      %mul3A_455 = arith.constant 1024 : i32
      %mul3A_456 = arith.muli %add3A_454, %mul3A_455 : i32
      %dma_start3A_457 = tpu.memref_slice %arg5[%multiple_of3A_453] : memref<65536xi32, #tpu.memory_space<vmem>> -> memref<1024xi32, #tpu.memory_space<vmem>>
      %dma_start3A_458 = tpu.memref_slice %arg4[%mul3A_456] : memref<4194304xi32, #tpu.memory_space<hbm>> -> memref<1024xi32, #tpu.memory_space<hbm>>
      %dma_start3A_459 = tpu.memref_slice %arg4[%mul3A_456] : memref<4194304xi32, #tpu.memory_space<hbm>> -> memref<1024xi32, #tpu.memory_space<hbm>>
      %dma_start3A_460 = tpu.memref_slice %arg5[%multiple_of3A_453] : memref<65536xi32, #tpu.memory_space<vmem>> -> memref<1024xi32, #tpu.memory_space<vmem>>
      tpu.enqueue_dma source(%dma_start3A_460 : memref<1024xi32, #tpu.memory_space<vmem>>) target(%dma_start3A_459 : memref<1024xi32, #tpu.memory_space<hbm>>) target_semaphore(%arg7 : memref<!tpu.dma_semaphore, #tpu.memory_space<semaphore_mem>>)
      %add3A_461 = arith.constant 16 : i32
      %add3A_462 = arith.addi %mul3A_10, %add3A_461 : i32
      %add3A_463 = arith.constant 14 : i32
      %add3A_464 = arith.addi %add3A_462, %add3A_463 : i32
      %slice3A_465 = vector.extract_strided_slice %add3A_264 {offsets = [14], sizes = [1], strides = [1]} : vector<16xi32> to vector<1xi32>
      %squeeze3A_466 = vector.extract %slice3A_465[0] : i32 from vector<1xi32>
      %multiple_of3A_467 = tpu.assume_multiple %squeeze3A_466, 8 : i32
      %add3A_468 = arith.addi %mul3A_2, %add3A_464 : i32
      %mul3A_469 = arith.constant 1024 : i32
      %mul3A_470 = arith.muli %add3A_468, %mul3A_469 : i32
      %dma_start3A_471 = tpu.memref_slice %arg5[%multiple_of3A_467] : memref<65536xi32, #tpu.memory_space<vmem>> -> memref<1024xi32, #tpu.memory_space<vmem>>
      %dma_start3A_472 = tpu.memref_slice %arg4[%mul3A_470] : memref<4194304xi32, #tpu.memory_space<hbm>> -> memref<1024xi32, #tpu.memory_space<hbm>>
      %dma_start3A_473 = tpu.memref_slice %arg4[%mul3A_470] : memref<4194304xi32, #tpu.memory_space<hbm>> -> memref<1024xi32, #tpu.memory_space<hbm>>
      %dma_start3A_474 = tpu.memref_slice %arg5[%multiple_of3A_467] : memref<65536xi32, #tpu.memory_space<vmem>> -> memref<1024xi32, #tpu.memory_space<vmem>>
      tpu.enqueue_dma source(%dma_start3A_474 : memref<1024xi32, #tpu.memory_space<vmem>>) target(%dma_start3A_473 : memref<1024xi32, #tpu.memory_space<hbm>>) target_semaphore(%arg7 : memref<!tpu.dma_semaphore, #tpu.memory_space<semaphore_mem>>)
      %add3A_475 = arith.constant 16 : i32
      %add3A_476 = arith.addi %mul3A_10, %add3A_475 : i32
      %add3A_477 = arith.constant 15 : i32
      %add3A_478 = arith.addi %add3A_476, %add3A_477 : i32
      %slice3A_479 = vector.extract_strided_slice %add3A_264 {offsets = [15], sizes = [1], strides = [1]} : vector<16xi32> to vector<1xi32>
      %squeeze3A_480 = vector.extract %slice3A_479[0] : i32 from vector<1xi32>
      %multiple_of3A_481 = tpu.assume_multiple %squeeze3A_480, 8 : i32
      %add3A_482 = arith.addi %mul3A_2, %add3A_478 : i32
      %mul3A_483 = arith.constant 1024 : i32
      %mul3A_484 = arith.muli %add3A_482, %mul3A_483 : i32
      %dma_start3A_485 = tpu.memref_slice %arg5[%multiple_of3A_481] : memref<65536xi32, #tpu.memory_space<vmem>> -> memref<1024xi32, #tpu.memory_space<vmem>>
      %dma_start3A_486 = tpu.memref_slice %arg4[%mul3A_484] : memref<4194304xi32, #tpu.memory_space<hbm>> -> memref<1024xi32, #tpu.memory_space<hbm>>
      %dma_start3A_487 = tpu.memref_slice %arg4[%mul3A_484] : memref<4194304xi32, #tpu.memory_space<hbm>> -> memref<1024xi32, #tpu.memory_space<hbm>>
      %dma_start3A_488 = tpu.memref_slice %arg5[%multiple_of3A_481] : memref<65536xi32, #tpu.memory_space<vmem>> -> memref<1024xi32, #tpu.memory_space<vmem>>
      tpu.enqueue_dma source(%dma_start3A_488 : memref<1024xi32, #tpu.memory_space<vmem>>) target(%dma_start3A_487 : memref<1024xi32, #tpu.memory_space<hbm>>) target_semaphore(%arg7 : memref<!tpu.dma_semaphore, #tpu.memory_space<semaphore_mem>>)
      %dma_wait3A = tpu.memref_slice %arg5[%multiple_of3A] : memref<65536xi32, #tpu.memory_space<vmem>> -> memref<1024xi32, #tpu.memory_space<vmem>>
      %dma_wait3A_489 = tpu.memref_slice %arg4[%mul3A_32] : memref<4194304xi32, #tpu.memory_space<hbm>> -> memref<1024xi32, #tpu.memory_space<hbm>>
      %dma_wait3A_490 = tpu.memref_slice %arg4[%mul3A_32] : memref<4194304xi32, #tpu.memory_space<hbm>> -> memref<1024xi32, #tpu.memory_space<hbm>>
      %dma_wait3A_491 = tpu.memref_slice %arg5[%multiple_of3A] : memref<65536xi32, #tpu.memory_space<vmem>> -> memref<1024xi32, #tpu.memory_space<vmem>>
      tpu.wait_dma2 semaphore(%arg7 : memref<!tpu.dma_semaphore, #tpu.memory_space<semaphore_mem>>) src(%dma_wait3A_491 : memref<1024xi32, #tpu.memory_space<vmem>>) dst(%dma_wait3A_490 : memref<1024xi32, #tpu.memory_space<hbm>>)
      %dma_wait3A_492 = tpu.memref_slice %arg5[%multiple_of3A_42] : memref<65536xi32, #tpu.memory_space<vmem>> -> memref<1024xi32, #tpu.memory_space<vmem>>
      %dma_wait3A_493 = tpu.memref_slice %arg4[%mul3A_45] : memref<4194304xi32, #tpu.memory_space<hbm>> -> memref<1024xi32, #tpu.memory_space<hbm>>
      %dma_wait3A_494 = tpu.memref_slice %arg4[%mul3A_45] : memref<4194304xi32, #tpu.memory_space<hbm>> -> memref<1024xi32, #tpu.memory_space<hbm>>
      %dma_wait3A_495 = tpu.memref_slice %arg5[%multiple_of3A_42] : memref<65536xi32, #tpu.memory_space<vmem>> -> memref<1024xi32, #tpu.memory_space<vmem>>
      tpu.wait_dma2 semaphore(%arg7 : memref<!tpu.dma_semaphore, #tpu.memory_space<semaphore_mem>>) src(%dma_wait3A_495 : memref<1024xi32, #tpu.memory_space<vmem>>) dst(%dma_wait3A_494 : memref<1024xi32, #tpu.memory_space<hbm>>)
      %dma_wait3A_496 = tpu.memref_slice %arg5[%multiple_of3A_56] : memref<65536xi32, #tpu.memory_space<vmem>> -> memref<1024xi32, #tpu.memory_space<vmem>>
      %dma_wait3A_497 = tpu.memref_slice %arg4[%mul3A_59] : memref<4194304xi32, #tpu.memory_space<hbm>> -> memref<1024xi32, #tpu.memory_space<hbm>>
      %dma_wait3A_498 = tpu.memref_slice %arg4[%mul3A_59] : memref<4194304xi32, #tpu.memory_space<hbm>> -> memref<1024xi32, #tpu.memory_space<hbm>>
      %dma_wait3A_499 = tpu.memref_slice %arg5[%multiple_of3A_56] : memref<65536xi32, #tpu.memory_space<vmem>> -> memref<1024xi32, #tpu.memory_space<vmem>>
      tpu.wait_dma2 semaphore(%arg7 : memref<!tpu.dma_semaphore, #tpu.memory_space<semaphore_mem>>) src(%dma_wait3A_499 : memref<1024xi32, #tpu.memory_space<vmem>>) dst(%dma_wait3A_498 : memref<1024xi32, #tpu.memory_space<hbm>>)
      %dma_wait3A_500 = tpu.memref_slice %arg5[%multiple_of3A_70] : memref<65536xi32, #tpu.memory_space<vmem>> -> memref<1024xi32, #tpu.memory_space<vmem>>
      %dma_wait3A_501 = tpu.memref_slice %arg4[%mul3A_73] : memref<4194304xi32, #tpu.memory_space<hbm>> -> memref<1024xi32, #tpu.memory_space<hbm>>
      %dma_wait3A_502 = tpu.memref_slice %arg4[%mul3A_73] : memref<4194304xi32, #tpu.memory_space<hbm>> -> memref<1024xi32, #tpu.memory_space<hbm>>
      %dma_wait3A_503 = tpu.memref_slice %arg5[%multiple_of3A_70] : memref<65536xi32, #tpu.memory_space<vmem>> -> memref<1024xi32, #tpu.memory_space<vmem>>
      tpu.wait_dma2 semaphore(%arg7 : memref<!tpu.dma_semaphore, #tpu.memory_space<semaphore_mem>>) src(%dma_wait3A_503 : memref<1024xi32, #tpu.memory_space<vmem>>) dst(%dma_wait3A_502 : memref<1024xi32, #tpu.memory_space<hbm>>)
      %dma_wait3A_504 = tpu.memref_slice %arg5[%multiple_of3A_84] : memref<65536xi32, #tpu.memory_space<vmem>> -> memref<1024xi32, #tpu.memory_space<vmem>>
      %dma_wait3A_505 = tpu.memref_slice %arg4[%mul3A_87] : memref<4194304xi32, #tpu.memory_space<hbm>> -> memref<1024xi32, #tpu.memory_space<hbm>>
      %dma_wait3A_506 = tpu.memref_slice %arg4[%mul3A_87] : memref<4194304xi32, #tpu.memory_space<hbm>> -> memref<1024xi32, #tpu.memory_space<hbm>>
      %dma_wait3A_507 = tpu.memref_slice %arg5[%multiple_of3A_84] : memref<65536xi32, #tpu.memory_space<vmem>> -> memref<1024xi32, #tpu.memory_space<vmem>>
      tpu.wait_dma2 semaphore(%arg7 : memref<!tpu.dma_semaphore, #tpu.memory_space<semaphore_mem>>) src(%dma_wait3A_507 : memref<1024xi32, #tpu.memory_space<vmem>>) dst(%dma_wait3A_506 : memref<1024xi32, #tpu.memory_space<hbm>>)
      %dma_wait3A_508 = tpu.memref_slice %arg5[%multiple_of3A_98] : memref<65536xi32, #tpu.memory_space<vmem>> -> memref<1024xi32, #tpu.memory_space<vmem>>
      %dma_wait3A_509 = tpu.memref_slice %arg4[%mul3A_101] : memref<4194304xi32, #tpu.memory_space<hbm>> -> memref<1024xi32, #tpu.memory_space<hbm>>
      %dma_wait3A_510 = tpu.memref_slice %arg4[%mul3A_101] : memref<4194304xi32, #tpu.memory_space<hbm>> -> memref<1024xi32, #tpu.memory_space<hbm>>
      %dma_wait3A_511 = tpu.memref_slice %arg5[%multiple_of3A_98] : memref<65536xi32, #tpu.memory_space<vmem>> -> memref<1024xi32, #tpu.memory_space<vmem>>
      tpu.wait_dma2 semaphore(%arg7 : memref<!tpu.dma_semaphore, #tpu.memory_space<semaphore_mem>>) src(%dma_wait3A_511 : memref<1024xi32, #tpu.memory_space<vmem>>) dst(%dma_wait3A_510 : memref<1024xi32, #tpu.memory_space<hbm>>)
      %dma_wait3A_512 = tpu.memref_slice %arg5[%multiple_of3A_112] : memref<65536xi32, #tpu.memory_space<vmem>> -> memref<1024xi32, #tpu.memory_space<vmem>>
      %dma_wait3A_513 = tpu.memref_slice %arg4[%mul3A_115] : memref<4194304xi32, #tpu.memory_space<hbm>> -> memref<1024xi32, #tpu.memory_space<hbm>>
      %dma_wait3A_514 = tpu.memref_slice %arg4[%mul3A_115] : memref<4194304xi32, #tpu.memory_space<hbm>> -> memref<1024xi32, #tpu.memory_space<hbm>>
      %dma_wait3A_515 = tpu.memref_slice %arg5[%multiple_of3A_112] : memref<65536xi32, #tpu.memory_space<vmem>> -> memref<1024xi32, #tpu.memory_space<vmem>>
      tpu.wait_dma2 semaphore(%arg7 : memref<!tpu.dma_semaphore, #tpu.memory_space<semaphore_mem>>) src(%dma_wait3A_515 : memref<1024xi32, #tpu.memory_space<vmem>>) dst(%dma_wait3A_514 : memref<1024xi32, #tpu.memory_space<hbm>>)
      %dma_wait3A_516 = tpu.memref_slice %arg5[%multiple_of3A_126] : memref<65536xi32, #tpu.memory_space<vmem>> -> memref<1024xi32, #tpu.memory_space<vmem>>
      %dma_wait3A_517 = tpu.memref_slice %arg4[%mul3A_129] : memref<4194304xi32, #tpu.memory_space<hbm>> -> memref<1024xi32, #tpu.memory_space<hbm>>
      %dma_wait3A_518 = tpu.memref_slice %arg4[%mul3A_129] : memref<4194304xi32, #tpu.memory_space<hbm>> -> memref<1024xi32, #tpu.memory_space<hbm>>
      %dma_wait3A_519 = tpu.memref_slice %arg5[%multiple_of3A_126] : memref<65536xi32, #tpu.memory_space<vmem>> -> memref<1024xi32, #tpu.memory_space<vmem>>
      tpu.wait_dma2 semaphore(%arg7 : memref<!tpu.dma_semaphore, #tpu.memory_space<semaphore_mem>>) src(%dma_wait3A_519 : memref<1024xi32, #tpu.memory_space<vmem>>) dst(%dma_wait3A_518 : memref<1024xi32, #tpu.memory_space<hbm>>)
      %dma_wait3A_520 = tpu.memref_slice %arg5[%multiple_of3A_140] : memref<65536xi32, #tpu.memory_space<vmem>> -> memref<1024xi32, #tpu.memory_space<vmem>>
      %dma_wait3A_521 = tpu.memref_slice %arg4[%mul3A_143] : memref<4194304xi32, #tpu.memory_space<hbm>> -> memref<1024xi32, #tpu.memory_space<hbm>>
      %dma_wait3A_522 = tpu.memref_slice %arg4[%mul3A_143] : memref<4194304xi32, #tpu.memory_space<hbm>> -> memref<1024xi32, #tpu.memory_space<hbm>>
      %dma_wait3A_523 = tpu.memref_slice %arg5[%multiple_of3A_140] : memref<65536xi32, #tpu.memory_space<vmem>> -> memref<1024xi32, #tpu.memory_space<vmem>>
      tpu.wait_dma2 semaphore(%arg7 : memref<!tpu.dma_semaphore, #tpu.memory_space<semaphore_mem>>) src(%dma_wait3A_523 : memref<1024xi32, #tpu.memory_space<vmem>>) dst(%dma_wait3A_522 : memref<1024xi32, #tpu.memory_space<hbm>>)
      %dma_wait3A_524 = tpu.memref_slice %arg5[%multiple_of3A_154] : memref<65536xi32, #tpu.memory_space<vmem>> -> memref<1024xi32, #tpu.memory_space<vmem>>
      %dma_wait3A_525 = tpu.memref_slice %arg4[%mul3A_157] : memref<4194304xi32, #tpu.memory_space<hbm>> -> memref<1024xi32, #tpu.memory_space<hbm>>
      %dma_wait3A_526 = tpu.memref_slice %arg4[%mul3A_157] : memref<4194304xi32, #tpu.memory_space<hbm>> -> memref<1024xi32, #tpu.memory_space<hbm>>
      %dma_wait3A_527 = tpu.memref_slice %arg5[%multiple_of3A_154] : memref<65536xi32, #tpu.memory_space<vmem>> -> memref<1024xi32, #tpu.memory_space<vmem>>
      tpu.wait_dma2 semaphore(%arg7 : memref<!tpu.dma_semaphore, #tpu.memory_space<semaphore_mem>>) src(%dma_wait3A_527 : memref<1024xi32, #tpu.memory_space<vmem>>) dst(%dma_wait3A_526 : memref<1024xi32, #tpu.memory_space<hbm>>)
      %dma_wait3A_528 = tpu.memref_slice %arg5[%multiple_of3A_168] : memref<65536xi32, #tpu.memory_space<vmem>> -> memref<1024xi32, #tpu.memory_space<vmem>>
      %dma_wait3A_529 = tpu.memref_slice %arg4[%mul3A_171] : memref<4194304xi32, #tpu.memory_space<hbm>> -> memref<1024xi32, #tpu.memory_space<hbm>>
      %dma_wait3A_530 = tpu.memref_slice %arg4[%mul3A_171] : memref<4194304xi32, #tpu.memory_space<hbm>> -> memref<1024xi32, #tpu.memory_space<hbm>>
      %dma_wait3A_531 = tpu.memref_slice %arg5[%multiple_of3A_168] : memref<65536xi32, #tpu.memory_space<vmem>> -> memref<1024xi32, #tpu.memory_space<vmem>>
      tpu.wait_dma2 semaphore(%arg7 : memref<!tpu.dma_semaphore, #tpu.memory_space<semaphore_mem>>) src(%dma_wait3A_531 : memref<1024xi32, #tpu.memory_space<vmem>>) dst(%dma_wait3A_530 : memref<1024xi32, #tpu.memory_space<hbm>>)
      %dma_wait3A_532 = tpu.memref_slice %arg5[%multiple_of3A_182] : memref<65536xi32, #tpu.memory_space<vmem>> -> memref<1024xi32, #tpu.memory_space<vmem>>
      %dma_wait3A_533 = tpu.memref_slice %arg4[%mul3A_185] : memref<4194304xi32, #tpu.memory_space<hbm>> -> memref<1024xi32, #tpu.memory_space<hbm>>
      %dma_wait3A_534 = tpu.memref_slice %arg4[%mul3A_185] : memref<4194304xi32, #tpu.memory_space<hbm>> -> memref<1024xi32, #tpu.memory_space<hbm>>
      %dma_wait3A_535 = tpu.memref_slice %arg5[%multiple_of3A_182] : memref<65536xi32, #tpu.memory_space<vmem>> -> memref<1024xi32, #tpu.memory_space<vmem>>
      tpu.wait_dma2 semaphore(%arg7 : memref<!tpu.dma_semaphore, #tpu.memory_space<semaphore_mem>>) src(%dma_wait3A_535 : memref<1024xi32, #tpu.memory_space<vmem>>) dst(%dma_wait3A_534 : memref<1024xi32, #tpu.memory_space<hbm>>)
      %dma_wait3A_536 = tpu.memref_slice %arg5[%multiple_of3A_196] : memref<65536xi32, #tpu.memory_space<vmem>> -> memref<1024xi32, #tpu.memory_space<vmem>>
      %dma_wait3A_537 = tpu.memref_slice %arg4[%mul3A_199] : memref<4194304xi32, #tpu.memory_space<hbm>> -> memref<1024xi32, #tpu.memory_space<hbm>>
      %dma_wait3A_538 = tpu.memref_slice %arg4[%mul3A_199] : memref<4194304xi32, #tpu.memory_space<hbm>> -> memref<1024xi32, #tpu.memory_space<hbm>>
      %dma_wait3A_539 = tpu.memref_slice %arg5[%multiple_of3A_196] : memref<65536xi32, #tpu.memory_space<vmem>> -> memref<1024xi32, #tpu.memory_space<vmem>>
      tpu.wait_dma2 semaphore(%arg7 : memref<!tpu.dma_semaphore, #tpu.memory_space<semaphore_mem>>) src(%dma_wait3A_539 : memref<1024xi32, #tpu.memory_space<vmem>>) dst(%dma_wait3A_538 : memref<1024xi32, #tpu.memory_space<hbm>>)
      %dma_wait3A_540 = tpu.memref_slice %arg5[%multiple_of3A_210] : memref<65536xi32, #tpu.memory_space<vmem>> -> memref<1024xi32, #tpu.memory_space<vmem>>
      %dma_wait3A_541 = tpu.memref_slice %arg4[%mul3A_213] : memref<4194304xi32, #tpu.memory_space<hbm>> -> memref<1024xi32, #tpu.memory_space<hbm>>
      %dma_wait3A_542 = tpu.memref_slice %arg4[%mul3A_213] : memref<4194304xi32, #tpu.memory_space<hbm>> -> memref<1024xi32, #tpu.memory_space<hbm>>
      %dma_wait3A_543 = tpu.memref_slice %arg5[%multiple_of3A_210] : memref<65536xi32, #tpu.memory_space<vmem>> -> memref<1024xi32, #tpu.memory_space<vmem>>
      tpu.wait_dma2 semaphore(%arg7 : memref<!tpu.dma_semaphore, #tpu.memory_space<semaphore_mem>>) src(%dma_wait3A_543 : memref<1024xi32, #tpu.memory_space<vmem>>) dst(%dma_wait3A_542 : memref<1024xi32, #tpu.memory_space<hbm>>)
      %dma_wait3A_544 = tpu.memref_slice %arg5[%multiple_of3A_224] : memref<65536xi32, #tpu.memory_space<vmem>> -> memref<1024xi32, #tpu.memory_space<vmem>>
      %dma_wait3A_545 = tpu.memref_slice %arg4[%mul3A_227] : memref<4194304xi32, #tpu.memory_space<hbm>> -> memref<1024xi32, #tpu.memory_space<hbm>>
      %dma_wait3A_546 = tpu.memref_slice %arg4[%mul3A_227] : memref<4194304xi32, #tpu.memory_space<hbm>> -> memref<1024xi32, #tpu.memory_space<hbm>>
      %dma_wait3A_547 = tpu.memref_slice %arg5[%multiple_of3A_224] : memref<65536xi32, #tpu.memory_space<vmem>> -> memref<1024xi32, #tpu.memory_space<vmem>>
      tpu.wait_dma2 semaphore(%arg7 : memref<!tpu.dma_semaphore, #tpu.memory_space<semaphore_mem>>) src(%dma_wait3A_547 : memref<1024xi32, #tpu.memory_space<vmem>>) dst(%dma_wait3A_546 : memref<1024xi32, #tpu.memory_space<hbm>>)
      %dma_wait3A_548 = tpu.memref_slice %arg5[%multiple_of3A_238] : memref<65536xi32, #tpu.memory_space<vmem>> -> memref<1024xi32, #tpu.memory_space<vmem>>
      %dma_wait3A_549 = tpu.memref_slice %arg4[%mul3A_241] : memref<4194304xi32, #tpu.memory_space<hbm>> -> memref<1024xi32, #tpu.memory_space<hbm>>
      %dma_wait3A_550 = tpu.memref_slice %arg4[%mul3A_241] : memref<4194304xi32, #tpu.memory_space<hbm>> -> memref<1024xi32, #tpu.memory_space<hbm>>
      %dma_wait3A_551 = tpu.memref_slice %arg5[%multiple_of3A_238] : memref<65536xi32, #tpu.memory_space<vmem>> -> memref<1024xi32, #tpu.memory_space<vmem>>
      tpu.wait_dma2 semaphore(%arg7 : memref<!tpu.dma_semaphore, #tpu.memory_space<semaphore_mem>>) src(%dma_wait3A_551 : memref<1024xi32, #tpu.memory_space<vmem>>) dst(%dma_wait3A_550 : memref<1024xi32, #tpu.memory_space<hbm>>)
      %dma_wait3A_552 = tpu.memref_slice %arg5[%multiple_of3A_271] : memref<65536xi32, #tpu.memory_space<vmem>> -> memref<1024xi32, #tpu.memory_space<vmem>>
      %dma_wait3A_553 = tpu.memref_slice %arg4[%mul3A_274] : memref<4194304xi32, #tpu.memory_space<hbm>> -> memref<1024xi32, #tpu.memory_space<hbm>>
      %dma_wait3A_554 = tpu.memref_slice %arg4[%mul3A_274] : memref<4194304xi32, #tpu.memory_space<hbm>> -> memref<1024xi32, #tpu.memory_space<hbm>>
      %dma_wait3A_555 = tpu.memref_slice %arg5[%multiple_of3A_271] : memref<65536xi32, #tpu.memory_space<vmem>> -> memref<1024xi32, #tpu.memory_space<vmem>>
      tpu.wait_dma2 semaphore(%arg7 : memref<!tpu.dma_semaphore, #tpu.memory_space<semaphore_mem>>) src(%dma_wait3A_555 : memref<1024xi32, #tpu.memory_space<vmem>>) dst(%dma_wait3A_554 : memref<1024xi32, #tpu.memory_space<hbm>>)
      %dma_wait3A_556 = tpu.memref_slice %arg5[%multiple_of3A_285] : memref<65536xi32, #tpu.memory_space<vmem>> -> memref<1024xi32, #tpu.memory_space<vmem>>
      %dma_wait3A_557 = tpu.memref_slice %arg4[%mul3A_288] : memref<4194304xi32, #tpu.memory_space<hbm>> -> memref<1024xi32, #tpu.memory_space<hbm>>
      %dma_wait3A_558 = tpu.memref_slice %arg4[%mul3A_288] : memref<4194304xi32, #tpu.memory_space<hbm>> -> memref<1024xi32, #tpu.memory_space<hbm>>
      %dma_wait3A_559 = tpu.memref_slice %arg5[%multiple_of3A_285] : memref<65536xi32, #tpu.memory_space<vmem>> -> memref<1024xi32, #tpu.memory_space<vmem>>
      tpu.wait_dma2 semaphore(%arg7 : memref<!tpu.dma_semaphore, #tpu.memory_space<semaphore_mem>>) src(%dma_wait3A_559 : memref<1024xi32, #tpu.memory_space<vmem>>) dst(%dma_wait3A_558 : memref<1024xi32, #tpu.memory_space<hbm>>)
      %dma_wait3A_560 = tpu.memref_slice %arg5[%multiple_of3A_299] : memref<65536xi32, #tpu.memory_space<vmem>> -> memref<1024xi32, #tpu.memory_space<vmem>>
      %dma_wait3A_561 = tpu.memref_slice %arg4[%mul3A_302] : memref<4194304xi32, #tpu.memory_space<hbm>> -> memref<1024xi32, #tpu.memory_space<hbm>>
      %dma_wait3A_562 = tpu.memref_slice %arg4[%mul3A_302] : memref<4194304xi32, #tpu.memory_space<hbm>> -> memref<1024xi32, #tpu.memory_space<hbm>>
      %dma_wait3A_563 = tpu.memref_slice %arg5[%multiple_of3A_299] : memref<65536xi32, #tpu.memory_space<vmem>> -> memref<1024xi32, #tpu.memory_space<vmem>>
      tpu.wait_dma2 semaphore(%arg7 : memref<!tpu.dma_semaphore, #tpu.memory_space<semaphore_mem>>) src(%dma_wait3A_563 : memref<1024xi32, #tpu.memory_space<vmem>>) dst(%dma_wait3A_562 : memref<1024xi32, #tpu.memory_space<hbm>>)
      %dma_wait3A_564 = tpu.memref_slice %arg5[%multiple_of3A_313] : memref<65536xi32, #tpu.memory_space<vmem>> -> memref<1024xi32, #tpu.memory_space<vmem>>
      %dma_wait3A_565 = tpu.memref_slice %arg4[%mul3A_316] : memref<4194304xi32, #tpu.memory_space<hbm>> -> memref<1024xi32, #tpu.memory_space<hbm>>
      %dma_wait3A_566 = tpu.memref_slice %arg4[%mul3A_316] : memref<4194304xi32, #tpu.memory_space<hbm>> -> memref<1024xi32, #tpu.memory_space<hbm>>
      %dma_wait3A_567 = tpu.memref_slice %arg5[%multiple_of3A_313] : memref<65536xi32, #tpu.memory_space<vmem>> -> memref<1024xi32, #tpu.memory_space<vmem>>
      tpu.wait_dma2 semaphore(%arg7 : memref<!tpu.dma_semaphore, #tpu.memory_space<semaphore_mem>>) src(%dma_wait3A_567 : memref<1024xi32, #tpu.memory_space<vmem>>) dst(%dma_wait3A_566 : memref<1024xi32, #tpu.memory_space<hbm>>)
      %dma_wait3A_568 = tpu.memref_slice %arg5[%multiple_of3A_327] : memref<65536xi32, #tpu.memory_space<vmem>> -> memref<1024xi32, #tpu.memory_space<vmem>>
      %dma_wait3A_569 = tpu.memref_slice %arg4[%mul3A_330] : memref<4194304xi32, #tpu.memory_space<hbm>> -> memref<1024xi32, #tpu.memory_space<hbm>>
      %dma_wait3A_570 = tpu.memref_slice %arg4[%mul3A_330] : memref<4194304xi32, #tpu.memory_space<hbm>> -> memref<1024xi32, #tpu.memory_space<hbm>>
      %dma_wait3A_571 = tpu.memref_slice %arg5[%multiple_of3A_327] : memref<65536xi32, #tpu.memory_space<vmem>> -> memref<1024xi32, #tpu.memory_space<vmem>>
      tpu.wait_dma2 semaphore(%arg7 : memref<!tpu.dma_semaphore, #tpu.memory_space<semaphore_mem>>) src(%dma_wait3A_571 : memref<1024xi32, #tpu.memory_space<vmem>>) dst(%dma_wait3A_570 : memref<1024xi32, #tpu.memory_space<hbm>>)
      %dma_wait3A_572 = tpu.memref_slice %arg5[%multiple_of3A_341] : memref<65536xi32, #tpu.memory_space<vmem>> -> memref<1024xi32, #tpu.memory_space<vmem>>
      %dma_wait3A_573 = tpu.memref_slice %arg4[%mul3A_344] : memref<4194304xi32, #tpu.memory_space<hbm>> -> memref<1024xi32, #tpu.memory_space<hbm>>
      %dma_wait3A_574 = tpu.memref_slice %arg4[%mul3A_344] : memref<4194304xi32, #tpu.memory_space<hbm>> -> memref<1024xi32, #tpu.memory_space<hbm>>
      %dma_wait3A_575 = tpu.memref_slice %arg5[%multiple_of3A_341] : memref<65536xi32, #tpu.memory_space<vmem>> -> memref<1024xi32, #tpu.memory_space<vmem>>
      tpu.wait_dma2 semaphore(%arg7 : memref<!tpu.dma_semaphore, #tpu.memory_space<semaphore_mem>>) src(%dma_wait3A_575 : memref<1024xi32, #tpu.memory_space<vmem>>) dst(%dma_wait3A_574 : memref<1024xi32, #tpu.memory_space<hbm>>)
      %dma_wait3A_576 = tpu.memref_slice %arg5[%multiple_of3A_355] : memref<65536xi32, #tpu.memory_space<vmem>> -> memref<1024xi32, #tpu.memory_space<vmem>>
      %dma_wait3A_577 = tpu.memref_slice %arg4[%mul3A_358] : memref<4194304xi32, #tpu.memory_space<hbm>> -> memref<1024xi32, #tpu.memory_space<hbm>>
      %dma_wait3A_578 = tpu.memref_slice %arg4[%mul3A_358] : memref<4194304xi32, #tpu.memory_space<hbm>> -> memref<1024xi32, #tpu.memory_space<hbm>>
      %dma_wait3A_579 = tpu.memref_slice %arg5[%multiple_of3A_355] : memref<65536xi32, #tpu.memory_space<vmem>> -> memref<1024xi32, #tpu.memory_space<vmem>>
      tpu.wait_dma2 semaphore(%arg7 : memref<!tpu.dma_semaphore, #tpu.memory_space<semaphore_mem>>) src(%dma_wait3A_579 : memref<1024xi32, #tpu.memory_space<vmem>>) dst(%dma_wait3A_578 : memref<1024xi32, #tpu.memory_space<hbm>>)
      %dma_wait3A_580 = tpu.memref_slice %arg5[%multiple_of3A_369] : memref<65536xi32, #tpu.memory_space<vmem>> -> memref<1024xi32, #tpu.memory_space<vmem>>
      %dma_wait3A_581 = tpu.memref_slice %arg4[%mul3A_372] : memref<4194304xi32, #tpu.memory_space<hbm>> -> memref<1024xi32, #tpu.memory_space<hbm>>
      %dma_wait3A_582 = tpu.memref_slice %arg4[%mul3A_372] : memref<4194304xi32, #tpu.memory_space<hbm>> -> memref<1024xi32, #tpu.memory_space<hbm>>
      %dma_wait3A_583 = tpu.memref_slice %arg5[%multiple_of3A_369] : memref<65536xi32, #tpu.memory_space<vmem>> -> memref<1024xi32, #tpu.memory_space<vmem>>
      tpu.wait_dma2 semaphore(%arg7 : memref<!tpu.dma_semaphore, #tpu.memory_space<semaphore_mem>>) src(%dma_wait3A_583 : memref<1024xi32, #tpu.memory_space<vmem>>) dst(%dma_wait3A_582 : memref<1024xi32, #tpu.memory_space<hbm>>)
      %dma_wait3A_584 = tpu.memref_slice %arg5[%multiple_of3A_383] : memref<65536xi32, #tpu.memory_space<vmem>> -> memref<1024xi32, #tpu.memory_space<vmem>>
      %dma_wait3A_585 = tpu.memref_slice %arg4[%mul3A_386] : memref<4194304xi32, #tpu.memory_space<hbm>> -> memref<1024xi32, #tpu.memory_space<hbm>>
      %dma_wait3A_586 = tpu.memref_slice %arg4[%mul3A_386] : memref<4194304xi32, #tpu.memory_space<hbm>> -> memref<1024xi32, #tpu.memory_space<hbm>>
      %dma_wait3A_587 = tpu.memref_slice %arg5[%multiple_of3A_383] : memref<65536xi32, #tpu.memory_space<vmem>> -> memref<1024xi32, #tpu.memory_space<vmem>>
      tpu.wait_dma2 semaphore(%arg7 : memref<!tpu.dma_semaphore, #tpu.memory_space<semaphore_mem>>) src(%dma_wait3A_587 : memref<1024xi32, #tpu.memory_space<vmem>>) dst(%dma_wait3A_586 : memref<1024xi32, #tpu.memory_space<hbm>>)
      %dma_wait3A_588 = tpu.memref_slice %arg5[%multiple_of3A_397] : memref<65536xi32, #tpu.memory_space<vmem>> -> memref<1024xi32, #tpu.memory_space<vmem>>
      %dma_wait3A_589 = tpu.memref_slice %arg4[%mul3A_400] : memref<4194304xi32, #tpu.memory_space<hbm>> -> memref<1024xi32, #tpu.memory_space<hbm>>
      %dma_wait3A_590 = tpu.memref_slice %arg4[%mul3A_400] : memref<4194304xi32, #tpu.memory_space<hbm>> -> memref<1024xi32, #tpu.memory_space<hbm>>
      %dma_wait3A_591 = tpu.memref_slice %arg5[%multiple_of3A_397] : memref<65536xi32, #tpu.memory_space<vmem>> -> memref<1024xi32, #tpu.memory_space<vmem>>
      tpu.wait_dma2 semaphore(%arg7 : memref<!tpu.dma_semaphore, #tpu.memory_space<semaphore_mem>>) src(%dma_wait3A_591 : memref<1024xi32, #tpu.memory_space<vmem>>) dst(%dma_wait3A_590 : memref<1024xi32, #tpu.memory_space<hbm>>)
      %dma_wait3A_592 = tpu.memref_slice %arg5[%multiple_of3A_411] : memref<65536xi32, #tpu.memory_space<vmem>> -> memref<1024xi32, #tpu.memory_space<vmem>>
      %dma_wait3A_593 = tpu.memref_slice %arg4[%mul3A_414] : memref<4194304xi32, #tpu.memory_space<hbm>> -> memref<1024xi32, #tpu.memory_space<hbm>>
      %dma_wait3A_594 = tpu.memref_slice %arg4[%mul3A_414] : memref<4194304xi32, #tpu.memory_space<hbm>> -> memref<1024xi32, #tpu.memory_space<hbm>>
      %dma_wait3A_595 = tpu.memref_slice %arg5[%multiple_of3A_411] : memref<65536xi32, #tpu.memory_space<vmem>> -> memref<1024xi32, #tpu.memory_space<vmem>>
      tpu.wait_dma2 semaphore(%arg7 : memref<!tpu.dma_semaphore, #tpu.memory_space<semaphore_mem>>) src(%dma_wait3A_595 : memref<1024xi32, #tpu.memory_space<vmem>>) dst(%dma_wait3A_594 : memref<1024xi32, #tpu.memory_space<hbm>>)
      %dma_wait3A_596 = tpu.memref_slice %arg5[%multiple_of3A_425] : memref<65536xi32, #tpu.memory_space<vmem>> -> memref<1024xi32, #tpu.memory_space<vmem>>
      %dma_wait3A_597 = tpu.memref_slice %arg4[%mul3A_428] : memref<4194304xi32, #tpu.memory_space<hbm>> -> memref<1024xi32, #tpu.memory_space<hbm>>
      %dma_wait3A_598 = tpu.memref_slice %arg4[%mul3A_428] : memref<4194304xi32, #tpu.memory_space<hbm>> -> memref<1024xi32, #tpu.memory_space<hbm>>
      %dma_wait3A_599 = tpu.memref_slice %arg5[%multiple_of3A_425] : memref<65536xi32, #tpu.memory_space<vmem>> -> memref<1024xi32, #tpu.memory_space<vmem>>
      tpu.wait_dma2 semaphore(%arg7 : memref<!tpu.dma_semaphore, #tpu.memory_space<semaphore_mem>>) src(%dma_wait3A_599 : memref<1024xi32, #tpu.memory_space<vmem>>) dst(%dma_wait3A_598 : memref<1024xi32, #tpu.memory_space<hbm>>)
      %dma_wait3A_600 = tpu.memref_slice %arg5[%multiple_of3A_439] : memref<65536xi32, #tpu.memory_space<vmem>> -> memref<1024xi32, #tpu.memory_space<vmem>>
      %dma_wait3A_601 = tpu.memref_slice %arg4[%mul3A_442] : memref<4194304xi32, #tpu.memory_space<hbm>> -> memref<1024xi32, #tpu.memory_space<hbm>>
      %dma_wait3A_602 = tpu.memref_slice %arg4[%mul3A_442] : memref<4194304xi32, #tpu.memory_space<hbm>> -> memref<1024xi32, #tpu.memory_space<hbm>>
      %dma_wait3A_603 = tpu.memref_slice %arg5[%multiple_of3A_439] : memref<65536xi32, #tpu.memory_space<vmem>> -> memref<1024xi32, #tpu.memory_space<vmem>>
      tpu.wait_dma2 semaphore(%arg7 : memref<!tpu.dma_semaphore, #tpu.memory_space<semaphore_mem>>) src(%dma_wait3A_603 : memref<1024xi32, #tpu.memory_space<vmem>>) dst(%dma_wait3A_602 : memref<1024xi32, #tpu.memory_space<hbm>>)
      %dma_wait3A_604 = tpu.memref_slice %arg5[%multiple_of3A_453] : memref<65536xi32, #tpu.memory_space<vmem>> -> memref<1024xi32, #tpu.memory_space<vmem>>
      %dma_wait3A_605 = tpu.memref_slice %arg4[%mul3A_456] : memref<4194304xi32, #tpu.memory_space<hbm>> -> memref<1024xi32, #tpu.memory_space<hbm>>
      %dma_wait3A_606 = tpu.memref_slice %arg4[%mul3A_456] : memref<4194304xi32, #tpu.memory_space<hbm>> -> memref<1024xi32, #tpu.memory_space<hbm>>
      %dma_wait3A_607 = tpu.memref_slice %arg5[%multiple_of3A_453] : memref<65536xi32, #tpu.memory_space<vmem>> -> memref<1024xi32, #tpu.memory_space<vmem>>
      tpu.wait_dma2 semaphore(%arg7 : memref<!tpu.dma_semaphore, #tpu.memory_space<semaphore_mem>>) src(%dma_wait3A_607 : memref<1024xi32, #tpu.memory_space<vmem>>) dst(%dma_wait3A_606 : memref<1024xi32, #tpu.memory_space<hbm>>)
      %dma_wait3A_608 = tpu.memref_slice %arg5[%multiple_of3A_467] : memref<65536xi32, #tpu.memory_space<vmem>> -> memref<1024xi32, #tpu.memory_space<vmem>>
      %dma_wait3A_609 = tpu.memref_slice %arg4[%mul3A_470] : memref<4194304xi32, #tpu.memory_space<hbm>> -> memref<1024xi32, #tpu.memory_space<hbm>>
      %dma_wait3A_610 = tpu.memref_slice %arg4[%mul3A_470] : memref<4194304xi32, #tpu.memory_space<hbm>> -> memref<1024xi32, #tpu.memory_space<hbm>>
      %dma_wait3A_611 = tpu.memref_slice %arg5[%multiple_of3A_467] : memref<65536xi32, #tpu.memory_space<vmem>> -> memref<1024xi32, #tpu.memory_space<vmem>>
      tpu.wait_dma2 semaphore(%arg7 : memref<!tpu.dma_semaphore, #tpu.memory_space<semaphore_mem>>) src(%dma_wait3A_611 : memref<1024xi32, #tpu.memory_space<vmem>>) dst(%dma_wait3A_610 : memref<1024xi32, #tpu.memory_space<hbm>>)
      %dma_wait3A_612 = tpu.memref_slice %arg5[%multiple_of3A_481] : memref<65536xi32, #tpu.memory_space<vmem>> -> memref<1024xi32, #tpu.memory_space<vmem>>
      %dma_wait3A_613 = tpu.memref_slice %arg4[%mul3A_484] : memref<4194304xi32, #tpu.memory_space<hbm>> -> memref<1024xi32, #tpu.memory_space<hbm>>
      %dma_wait3A_614 = tpu.memref_slice %arg4[%mul3A_484] : memref<4194304xi32, #tpu.memory_space<hbm>> -> memref<1024xi32, #tpu.memory_space<hbm>>
      %dma_wait3A_615 = tpu.memref_slice %arg5[%multiple_of3A_481] : memref<65536xi32, #tpu.memory_space<vmem>> -> memref<1024xi32, #tpu.memory_space<vmem>>
      tpu.wait_dma2 semaphore(%arg7 : memref<!tpu.dma_semaphore, #tpu.memory_space<semaphore_mem>>) src(%dma_wait3A_615 : memref<1024xi32, #tpu.memory_space<vmem>>) dst(%dma_wait3A_614 : memref<1024xi32, #tpu.memory_space<hbm>>)
    }
    %scan3A_7 = arith.constant 4 : i32
    return
  }
}

</mosaic_0001>

<sc_bundles>
// kernel: _sc_call.3.cloned.1.call-start
scs
__scs_entry_jumppad:
0x0: {  	(pc) =	sbr.rel $0x88, $3  }
0x1: {  	(tag) =	ssettag $0x0;
	lr =	simm.s32 $0x1  }
0x2: {  	[smem:$0x3F9F] =	sst lr;
	_ =	strace $0xD0000000  }
0x3: {  	_ = 	snop  }
0x4: {  	_ = 	snop  }
0x5: {  	_ = 	snop  }
0x6: {  	_ = 	snop  }
0x7: {  	_ = 	snop  }
__scs_overlays_trampoline_lowered:
0x8: {  	[smem:$0x3FAE] =	sst s0  }
0x9: {  	[smem:$0x3FAF] =	sst s1  }
0xa: {  	[smem:$0x3FB0] =	sst s2  }
0xb: {  	[smem:$0x3FB1] =	sst s3  }
0xc: {  	[smem:$0x3FB2] =	sst s4  }
0xd: {  	[smem:$0x3FB3] =	sst s5  }
0xe: {  	[smem:$0x3FB4] =	sst s6  }
0xf: {  	[smem:$0x3FB5] =	sst s7  }
0x10: {  	[smem:$0x3FB6] =	sst s8  }
0x11: {  	[smem:$0x3FB7] =	sst s9;
	s0 =	simm.s32 @!p0 $0x0  }
0x12: {  	s1 =	sld [smem:$0x3F9D];
	s0 =	simm.s32 @p0 $0x1  }
0x13: {  	[smem:$0x3FB8] =	sst s0;
	s0 =	simm.s32 @!p1 $0x0  }
0x14: {  	s2 =	sld [smem:$0x3F9C];
	s0 =	simm.s32 @p1 $0x1  }
0x15: {  	[smem:$0x3FB9] =	sst s0;
	s0 =	simm.s32 @!p2 $0x0  }
0x16: {  	s3 =	sld [smem:$0x3FDB];
	s0 =	simm.s32 @p2 $0x1  }
0x17: {  	s4 =	simm.s32 $0x1BF5;
	[smem:$0x3FBB] =	sst s0  }
0x18: {  	s0 =	sld [smem:$0x3F9E];
	_ =	swait.ge [sflag:s4], $0x0  }
0x19: {  	s7 =	sld [smem:$0x3F9F]  }
0x1a: {  	s8 =	sadd.s32 $0xFFFFE003, lr  }
0x1b: {  	s9 =	sadd.s32 $0xFFFFFEF7, lr;
	s5 =	simm.s32 $0xFFFFFFFF;
	p2 =	slt.u32 s8, $0xFFFFF086  }
0x1c: {  	p1 =	slt.u32 s9, $0xF7A;
	s5 =	simm.s32 @!p2 $0x0  }
0x1d: {  	s5 =	simm.s32 @p1 $0x1;
	p0 =	seq.s32 s7, s2  }
0x1e: {  	s7 =	smul.u32 @!p0 $0xF7A, s2;
	p2 =	seq.s32 @!p0 s5, $0x0  }
0x1f: {  	s9 =	smul.u32 $0xF7A, s1;
	s8 =	simm.s32 @!p0 $0x1BF5;
	p2 =	por !p2, p0  }
0x20: {  	[sflag:s8] =	ssyncset.s32 @!p0 $0xFFFFF086;
	s6 =	sadd.s32 @!p0 s3, s7;
	s7 =	simm.s32 @!p0 $0x108  }
0x21: {  	s3 =	sadd.s32 s3, s9;
	s6 =	sadd.s32 @!p0 $0x88, s6;
	s7 =	simm.s32 @p2 $0x1082  }
0x22: {  	[simem:s7], [sflag:s8] =	dma.local @!p0 [hbm:s6], $0xF7A  }
0x23: {  	s9 =	sor.u32 $0xD0000000, s2;
	s6 =	simm.s32 $0x108;
	_ =	swait.ge @!p0 [sflag:s8], $0x0  }
0x24: {  	s3 =	sadd.s32 $0x88, s3;
	s6 =	simm.s32 @!p1 $0x1082;
	[sflag:s4] =	ssyncset.s32 $0xFFFFF086  }
0x25: {  	[simem:s6], [sflag:s4] =	dma.local [hbm:s3], $0xF7A  }
0x26: {  	[smem:$0x3F9F] =	sst s1;
	(tag) =	ssettag s2;
	_ =	strace s9  }
0x27: {  	s1 =	sld [smem:$0x3FAF]  }
0x28: {  	s2 =	sld [smem:$0x3FB0]  }
0x29: {  	s4 =	sld [smem:$0x3FB2]  }
0x2a: {  	p0 =	seq.s32 s5, $0x0;
	s5 =	sld [smem:$0x3FB3]  }
0x2b: {  	s6 =	sld [smem:$0x3FB4]  }
0x2c: {  	s7 =	sld [smem:$0x3FB5]  }
0x2d: {  	s3 =	simm.s32 $0x108;
	s8 =	sld [smem:$0x3FB6]  }
0x2e: {  	s3 =	simm.s32 @!p0 $0x1082;
	s9 =	sld [smem:$0x3FB7]  }
0x2f: {  	lr =	sadd.s32 s0, s3;
	s0 =	sld [smem:$0x3FAE]  }
0x30: {  	s3 =	sld [smem:$0x3FB1]  }
0x31: {  	[smem:$0x3FBA] =	sst s10  }
0x32: {  	s10 =	sld [smem:$0x3FB8];
	_ =	sdelay $0x3  }
0x33: {  	p0 =	seq.s32 s10, $0x1;
	s10 =	sld [smem:$0x3FBA];
	_ =	sdelay $0x3  }
0x34: {  	[smem:$0x3FBA] =	sst s10  }
0x35: {  	s10 =	sld [smem:$0x3FB9];
	_ =	sdelay $0x3  }
0x36: {  	p1 =	seq.s32 s10, $0x1;
	s10 =	sld [smem:$0x3FBA];
	_ =	sdelay $0x3  }
0x37: {  	[smem:$0x3FBA] =	sst s10  }
0x38: {  	s10 =	sld [smem:$0x3FBB]  }
0x39: {  	_ = 	snop;
	(pc) =	sbr.ind lr, $3  }
0x3a: {  	_ = 	snop  }
0x3b: {  	_ = 	snop  }
0x3c: {  	p2 =	seq.s32 s10, $0x1;
	s10 =	sld [smem:$0x3FBA]  }
0x3d: {  	_ =	shalt  }
0x3e: {  	_ =	shalt  }
0x3f: {  	_ =	shalt  }
0x40: {  	_ =	shalt  }
0x41: {  	_ =	shalt  }
0x42: {  	_ =	shalt  }
0x43: {  	_ =	shalt  }
0x44: {  	_ =	shalt  }
0x45: {  	_ =	shalt  }
0x46: {  	_ =	shalt  }
0x47: {  	_ =	shalt  }
0x48: {  	_ =	shalt  }
0x49: {  	_ =	shalt  }
0x4a: {  	_ =	shalt  }
0x4b: {  	_ =	shalt  }
0x4c: {  	_ =	shalt  }
0x4d: {  	_ =	shalt  }
0x4e: {  	_ =	shalt  }
0x4f: {  	_ =	shalt  }
0x50: {  	_ =	shalt  }
0x51: {  	_ =	shalt  }
0x52: {  	_ =	shalt  }
0x53: {  	_ =	shalt  }
0x54: {  	_ =	shalt  }
0x55: {  	_ =	shalt  }
0x56: {  	_ =	shalt  }
0x57: {  	_ =	shalt  }
0x58: {  	_ =	shalt  }
0x59: {  	_ =	shalt  }
0x5a: {  	_ =	shalt  }
0x5b: {  	_ =	shalt  }
0x5c: {  	_ =	shalt  }
0x5d: {  	_ =	shalt  }
0x5e: {  	_ =	shalt  }
0x5f: {  	_ =	shalt  }
0x60: {  	_ =	shalt  }
0x61: {  	_ =	shalt  }
0x62: {  	_ =	shalt  }
0x63: {  	_ =	shalt  }
0x64: {  	_ =	shalt  }
0x65: {  	_ =	shalt  }
0x66: {  	_ =	shalt  }
0x67: {  	_ =	shalt  }
0x68: {  	_ =	shalt  }
0x69: {  	_ =	shalt  }
0x6a: {  	_ =	shalt  }
0x6b: {  	_ =	shalt  }
0x6c: {  	_ =	shalt  }
0x6d: {  	_ =	shalt  }
0x6e: {  	_ =	shalt  }
0x6f: {  	_ =	shalt  }
0x70: {  	_ =	shalt  }
0x71: {  	_ =	shalt  }
0x72: {  	_ =	shalt  }
0x73: {  	_ =	shalt  }
0x74: {  	_ =	shalt  }
0x75: {  	_ =	shalt  }
0x76: {  	_ =	shalt  }
0x77: {  	_ =	shalt  }
0x78: {  	_ =	shalt  }
0x79: {  	_ =	shalt  }
0x7a: {  	_ =	shalt  }
0x7b: {  	_ =	shalt  }
0x7c: {  	_ =	shalt  }
0x7d: {  	_ =	shalt  }
0x7e: {  	_ =	shalt  }
0x7f: {  	_ =	shalt  }
0x80: {  	_ =	shalt  }
0x81: {  	_ =	shalt  }
0x82: {  	_ =	shalt  }
0x83: {  	_ =	shalt  }
0x84: {  	_ =	shalt  }
0x85: {  	_ =	shalt  }
0x86: {  	_ =	shalt  }
0x87: {  	_ =	shalt  }
.Lfunc_end0:
.L_simem_size_0:
called_computation_lowered:
.L_overlay_start_0:
0x88: {  	s2 =	sld [smem:$0x3FD9]  }
0x89: {  	s3 =	sld [smem:$0x3FFE];
	_ =	sdelay $0x1  }
0x8a: {  	s1 =	srdreg.scid  }
0x8b: {  	s0 =	sand.u32 $0x1, s1  }
0x8c: {  	s18 =	sshll.u32 s0, $0xA;
	s2 =	sadd.s32 s3, s2  }
0x8d: {  	s2 =	sadd.s32 s2, s18  }
0x8e: {  	[smem:$0x3FC6] =	sst s2  }
0x8f: {  	_ = 	snop  }
0x90: {  	s2 =	sld [smem:$0x3FC9]  }
0x91: {  	s19 =	sld [smem:$0x3FC8]  }
0x92: {  	s4 =	sld [smem:$0x3FD0];
	(tm) =	ssettm $0x1  }
0x93: {  	s5 =	sld [smem:$0x3FFB];
	_ =	sdelay $0x3  }
0x94: {  	_ =	strace s5  }
0x95: {  	s5 =	sld [smem:$0x3FFC];
	_ =	sdelay $0x3  }
0x96: {  	_ =	strace s5  }
0x97: {  	s5 =	sld [smem:$0x3FFD];
	_ =	sdelay $0x3  }
0x98: {  	_ =	strace s5  }
0x99: {  	_ =	strace $0x8FFFFFFF  }
0x9a: {  	s20 =	sld [smem:$0x3FDB];
	_ =	sdelay $0x1  }
0x9b: {  	s6 =	simm.s32 $_scs_section_size  }
0x9c: {  	s7 =	simm.s32 $_size__tile_overlayer_lowered;
	s8 =	simm.s32 $_tile_overlayer_lowered  }
0x9d: {  	s23 =	simm.s32 $0x1BFF;
	s22 =	sshll.u32 s8, $0x1;
	s5 =	sadd.s32 s6, s20  }
0x9e: {  	s9 =	simm.s32 $0x0;
	s21 =	sshll.u32 s7, $0x1;
	s7 =	sadd.s32 s22, s5  }
0x9f: {  	[timem:s9], [sflag:s23] =	dma.local [hbm:s7], s21  }
0xa0: {  	_ =	swait.ge [sflag:s23], s21  }
0xa1: {  	s6 =	ssub.s32 $0x0, s21;
	[sflag:s23] =	ssyncset.done $0x0  }
0xa2: {  	[sflag:s23] =	ssyncadd.s32 s6;
	_ =	sdelay $0x1  }
0xa3: {  	s24 =	simm.s32 $0x1B8B  }
0xa4: {  	_ =	swait.ge [sflag:s24], $0x1  }
0xa5: {  	[sflag:s24] =	ssyncset.done $0x0  }
0xa6: {  	s25 =	simm.s32 $0x1B8E;
	[sflag:s24] =	ssyncadd.s32 $0xFFFFFFFF  }
0xa7: {  	s26 =	simm.s32 $execute0_lowered;
	[smem:$0x3FD2] =	sst s25  }
0xa8: {  	s6 =	sshll.u32 s26, $0x1;
	_ =	strace $0x80000046;
	[dreg:$0x1] =	wrdreg $0xFFFFFFFF  }
0xa9: {  	s28 =	simm.s32 $_size_execute0_lowered;
	s5 =	sadd.s32 s5, s6;
	[dreg:$0x0] =	wrdreg $0x0  }
0xaa: {  	s6 =	sshll.u32 s28, $0x1;
	[dreg:$0x2] =	wrdreg s5  }
0xab: {  	[dreg:$0x3] =	wrdreg s6  }
0xac: {  	[dreg:$0x4] =	wrdreg $0xC0  }
0xad: {  	_ =	task [dreg:s9], $0x5FFFF  }
0xae: {  	[dreg:$0x1] =	wrdreg $0xFFFFFFFF  }
0xaf: {  	[dreg:$0x0] =	wrdreg $0x60  }
0xb0: {  	[dreg:$0x2] =	wrdreg s2  }
0xb1: {  	[dreg:$0x3] =	wrdreg s19  }
0xb2: {  	[dreg:$0x4] =	wrdreg s4  }
0xb3: {  	[dreg:$0x5] =	wrdreg $0x9  }
0xb4: {  	_ =	task.clear_ibuf [dreg:s9], $0x6FFFF;
	_ =	strace $0x90000046  }
0xb5: {  	s29 =	simm.s32 $0x9;
	_ =	strace $0x80000048  }
0xb6: {  	_ =	swait.ge [sflag:s29], $0x1  }
0xb7: {  	[sflag:s29] =	ssyncadd.s32 $0xFFFFFFFF  }
0xb8: {  	_ =	strace $0x90000048  }
0xb9: {  	_ =	sfence  }
0xba: {  	s30 =	sld [smem:$0x0];
	_ =	sdelay $0x2  }
0xbb: {  	s31 =	sshll.u32 s1, $0xD;
	s1 =	sshrl.u32 s1, $0x2  }
0xbc: {  	s3 =	sand.u32 $0x4000, s31;
	s1 =	sadd.s32 s1, s30  }
0xbd: {  	s0 =	sor.u32 s3, s0;
	s1 =	sshll.u32 s1, $0x11  }
0xbe: {  	s0 =	sor.u32 s1, s0  }
0xbf: {  	s0 =	sadd.s32 $0x8F2B, s0  }
0xc0: {  	[sflag:s0] =	ssyncadd.remote.s32 $0x1  }
0xc1: {  	_ =	sfence.sel $0xFFFF  }
0xc2: {  	[dreg:$0x0] =	wrdreg $0xFFFFFFFF;
	(pc) =	sbr.abs _section_cstart, $3  }
0xc3: {  	[dreg:$0x1] =	wrdreg $0xFFFFFFFF  }
0xc4: {  	_ =	task.clear_ibuf [dreg:s9], $0x2FFFF;
	_ =	strace $0x9FFFFFFF  }
0xc5: {  	(tm) =	ssettm $0x7FFFFFFF  }
tec
execute0_lowered:
.L_overlay_start_1:
0x0: {  	(tag) =	ssettag $0x1  }
0x1: {  	s4 =	rddreg [dreg:$0x0]  }
0x2: {  	s1 =	rddreg [dreg:$0x1]  }
0x3: {  	s5 =	rddreg [dreg:$0x2]  }
0x4: {  	s0 =	rddreg [dreg:$0x3]  }
0x5: {  	s3 =	simm.s32 $0x0;
	s6 =	srdreg.scid;
	s2 =	stileid.u32  }
0x6: {  	[smem:$0x7FF] =	sst s3;
	s6 =	sand.u32 $0x1, s6;
	s7 =	sshll.u32 s2, $0x8  }
0x7: {  	s9 =	sshll.u32 s2, $0xF;
	_ =	strace $0x80000047;
	s8 =	sshll.u32 s6, $0x7  }
0x8: {  	s30 =	ssub.s32 $0x2, s6;
	s5 =	sadd.s32 s9, s5;
	s6 =	sshll.u32 s6, $0xE  }
0x9: {  	s9 =	simm.s32 $0x0;
	s7 =	sor.u32 s8, s7;
	s31 =	sshrl.u32 s30, $0x1  }
0xa: {  	s6 =	sadd.s32 s6, s5;
	s7 =	sshrl.u32 s7, $0x3;
	s8 =	ssub.s32 s30, s31  }
0xb: {  	[dreg:$0x4] =	wrdreg s6;
	s6 =	simm.s32 $0x2;
	s4 =	sadd.s32 s4, s7  }
0xc: {  	s5 =	smax.u32 s8, $0x1;
	s7 =	simm.s32 $0x10000;
	s8 =	simm.s32 $0x1  }
.LBB2_1:
0xd: {  	[tilespmem:s3], [sflag:$0x2] =	stream.linear.gather [hbm4b:s1+s3], $0x10000, $0x38;
	[tilespmem:$0x10080] =	vst v63  }
0xe: {  	_ =	swait.ge [sflag:s6], $0x10000  }
0xf: {  	[sflag:s6] =	ssyncset.done $0x0  }
0x10: {  	[sflag:s6] =	ssyncadd.s32 $0xFFFF0000  }
0x11: {  	[tilespmem:s7], [sflag:$0x2] =	stream.linear.gather [hbm4b:s4+s3], $0x80, $0x38;
	[tilespmem:$0x10080] =	vst v63  }
0x12: {  	_ =	swait.ge [sflag:s6], $0x80  }
0x13: {  	[sflag:s6] =	ssyncset.done $0x0  }
0x14: {  	s10 =	simm.s32 $0x10010;
	[sflag:s6] =	ssyncadd.s32 $0xFFFFFF80  }
0x15: {  	v0 =	vld [tilespmem:s10+$0xFFFFFFF0];
	_ =	sdelay $0x4  }
0x16: {  	v0 =	vsub.s32 $0xFFF, v0  }
0x17: {  	v1 =	vshra.s32 v0, $0x1F  }
0x18: {  	v1 =	vshrl.u32 v1, $0x1B  }
0x19: {  	v1 =	vadd.s32 v1, v0  }
0x1a: {  	v1 =	vshrl.u32 v1, $0x5  }
0x1b: {  	v1 =	vshll.u32 v1, $0x5  }
0x1c: {  	v0 =	vsub.s32 v0, v1  }
0x1d: {  	v1 =	vshrl.u32 v1, $0x2;
	v0 =	vshll.u32 v0, $0xB  }
0x1e: {  	v0 =	vadd.s32 v0, v1  }
0x1f: {  	(v2sf) =	vpush v0, $0x0;
	_ =	sdelay $0x1  }
0x20: {  	(v2sf) =	vpush v0, $0x1;
	_ =	sdelay $0x1  }
0x21: {  	(v2sf) =	vpush v0, $0x2;
	_ =	sdelay $0x1  }
0x22: {  	(v2sf) =	vpush v0, $0x3;
	_ =	sdelay $0x1  }
0x23: {  	(v2sf) =	vpush v0, $0x4;
	_ =	sdelay $0x1  }
0x24: {  	(v2sf) =	vpush v0, $0x5;
	_ =	sdelay $0x1  }
0x25: {  	(v2sf) =	vpush v0, $0x6;
	_ =	sdelay $0x1  }
0x26: {  	s11 =	rddreg [dreg:$0x4];
	(v2sf) =	vpush v0, $0x7  }
0x27: {  	s11 =	sadd.s32 $0x0, s11;
	s12 =	spop (v2sf)  }
0x28: {  	(v2sf) =	vpush v0, $0x8;
	[hbm4b:s11+s3] =	stream.linear.scatter [tilespmem:s12], [sflag:$0x1], $0x400, $0x38;
	[tilespmem:$0x10080] =	vst v63  }
0x29: {  	s24 =	sadd.s32 $0x80, s11;
	s13 =	spop (v2sf)  }
0x2a: {  	(v2sf) =	vpush v0, $0x9;
	[hbm4b:s24+s3] =	stream.linear.scatter [tilespmem:s13], [sflag:$0x1], $0x400, $0x38;
	[tilespmem:$0x10080] =	vst v63  }
0x2b: {  	s25 =	sadd.s32 $0x100, s11;
	s26 =	spop (v2sf)  }
0x2c: {  	(v2sf) =	vpush v0, $0xA;
	[hbm4b:s25+s3] =	stream.linear.scatter [tilespmem:s26], [sflag:$0x1], $0x400, $0x38;
	[tilespmem:$0x10080] =	vst v63  }
0x2d: {  	s28 =	sadd.s32 $0x180, s11;
	s29 =	spop (v2sf)  }
0x2e: {  	(v2sf) =	vpush v0, $0xB;
	[hbm4b:s28+s3] =	stream.linear.scatter [tilespmem:s29], [sflag:$0x1], $0x400, $0x38;
	[tilespmem:$0x10080] =	vst v63  }
0x2f: {  	s30 =	sadd.s32 $0x200, s11;
	s31 =	spop (v2sf)  }
0x30: {  	(v2sf) =	vpush v0, $0xC;
	[hbm4b:s30+s3] =	stream.linear.scatter [tilespmem:s31], [sflag:$0x1], $0x400, $0x38;
	[tilespmem:$0x10080] =	vst v63  }
0x31: {  	s13 =	sadd.s32 $0x280, s11;
	s14 =	spop (v2sf)  }
0x32: {  	(v2sf) =	vpush v0, $0xD;
	[hbm4b:s13+s3] =	stream.linear.scatter [tilespmem:s14], [sflag:$0x1], $0x400, $0x38;
	[tilespmem:$0x10080] =	vst v63  }
0x33: {  	s15 =	sadd.s32 $0x300, s11;
	s16 =	spop (v2sf)  }
0x34: {  	(v2sf) =	vpush v0, $0xE;
	[hbm4b:s15+s3] =	stream.linear.scatter [tilespmem:s16], [sflag:$0x1], $0x400, $0x38;
	[tilespmem:$0x10080] =	vst v63  }
0x35: {  	s17 =	sadd.s32 $0x380, s11;
	s18 =	spop (v2sf)  }
0x36: {  	(v2sf) =	vpush v0, $0xF;
	[hbm4b:s17+s3] =	stream.linear.scatter [tilespmem:s18], [sflag:$0x1], $0x400, $0x38;
	[tilespmem:$0x10080] =	vst v63  }
0x37: {  	s19 =	sadd.s32 $0x400, s11;
	s20 =	spop (v2sf)  }
0x38: {  	[hbm4b:s19+s3] =	stream.linear.scatter [tilespmem:s20], [sflag:$0x1], $0x400, $0x38;
	[tilespmem:$0x10080] =	vst v63  }
0x39: {  	s21 =	sadd.s32 $0x480, s11;
	s22 =	spop (v2sf)  }
0x3a: {  	[hbm4b:s21+s3] =	stream.linear.scatter [tilespmem:s22], [sflag:$0x1], $0x400, $0x38;
	[tilespmem:$0x10080] =	vst v63  }
0x3b: {  	s23 =	sadd.s32 $0x500, s11;
	s24 =	spop (v2sf)  }
0x3c: {  	[hbm4b:s23+s3] =	stream.linear.scatter [tilespmem:s24], [sflag:$0x1], $0x400, $0x38;
	[tilespmem:$0x10080] =	vst v63  }
0x3d: {  	s25 =	sadd.s32 $0x580, s11;
	s26 =	spop (v2sf)  }
0x3e: {  	[hbm4b:s25+s3] =	stream.linear.scatter [tilespmem:s26], [sflag:$0x1], $0x400, $0x38;
	[tilespmem:$0x10080] =	vst v63  }
0x3f: {  	s28 =	sadd.s32 $0x600, s11;
	s29 =	spop (v2sf)  }
0x40: {  	[hbm4b:s28+s3] =	stream.linear.scatter [tilespmem:s29], [sflag:$0x1], $0x400, $0x38;
	[tilespmem:$0x10080] =	vst v63  }
0x41: {  	s30 =	sadd.s32 $0x680, s11;
	s31 =	spop (v2sf)  }
0x42: {  	[hbm4b:s30+s3] =	stream.linear.scatter [tilespmem:s31], [sflag:$0x1], $0x400, $0x38;
	[tilespmem:$0x10080] =	vst v63  }
0x43: {  	s13 =	sadd.s32 $0x700, s11;
	s14 =	spop (v2sf)  }
0x44: {  	[hbm4b:s13+s3] =	stream.linear.scatter [tilespmem:s14], [sflag:$0x1], $0x400, $0x38;
	[tilespmem:$0x10080] =	vst v63  }
0x45: {  	s15 =	sadd.s32 $0x780, s11;
	s16 =	spop (v2sf)  }
0x46: {  	[hbm4b:s15+s3] =	stream.linear.scatter [tilespmem:s16], [sflag:$0x1], $0x400, $0x38;
	[tilespmem:$0x10080] =	vst v63  }
0x47: {  	v62 =	vld [tilespmem:s10+$0x0];
	_ =	sdelay $0x4  }
0x48: {  	v0 =	vsub.s32 $0xFFF, v62  }
0x49: {  	v63 =	vshra.s32 v0, $0x1F  }
0x4a: {  	v1 =	vshrl.u32 v63, $0x1B  }
0x4b: {  	v1 =	vadd.s32 v1, v0  }
0x4c: {  	v1 =	vshrl.u32 v1, $0x5  }
0x4d: {  	v1 =	vshll.u32 v1, $0x5  }
0x4e: {  	v0 =	vsub.s32 v0, v1  }
0x4f: {  	v1 =	vshrl.u32 v1, $0x2;
	v0 =	vshll.u32 v0, $0xB  }
0x50: {  	v0 =	vadd.s32 v0, v1  }
0x51: {  	(v2sf) =	vpush v0, $0x0;
	_ =	sdelay $0x1  }
0x52: {  	(v2sf) =	vpush v0, $0x1;
	_ =	sdelay $0x1  }
0x53: {  	(v2sf) =	vpush v0, $0x2;
	_ =	sdelay $0x1  }
0x54: {  	(v2sf) =	vpush v0, $0x3;
	_ =	sdelay $0x1  }
0x55: {  	(v2sf) =	vpush v0, $0x4;
	_ =	sdelay $0x1  }
0x56: {  	(v2sf) =	vpush v0, $0x5;
	_ =	sdelay $0x1  }
0x57: {  	(v2sf) =	vpush v0, $0x6;
	_ =	sdelay $0x1  }
0x58: {  	(v2sf) =	vpush v0, $0x7  }
0x59: {  	s17 =	sadd.s32 $0x800, s11;
	s18 =	spop (v2sf)  }
0x5a: {  	(v2sf) =	vpush v0, $0x8;
	[hbm4b:s17+s3] =	stream.linear.scatter [tilespmem:s18], [sflag:$0x1], $0x400, $0x38;
	[tilespmem:$0x10080] =	vst v63  }
0x5b: {  	s19 =	sadd.s32 $0x880, s11;
	s20 =	spop (v2sf)  }
0x5c: {  	(v2sf) =	vpush v0, $0x9;
	[hbm4b:s19+s3] =	stream.linear.scatter [tilespmem:s20], [sflag:$0x1], $0x400, $0x38;
	[tilespmem:$0x10080] =	vst v63  }
0x5d: {  	s21 =	sadd.s32 $0x900, s11;
	s22 =	spop (v2sf)  }
0x5e: {  	(v2sf) =	vpush v0, $0xA;
	[hbm4b:s21+s3] =	stream.linear.scatter [tilespmem:s22], [sflag:$0x1], $0x400, $0x38;
	[tilespmem:$0x10080] =	vst v63  }
0x5f: {  	s23 =	sadd.s32 $0x980, s11;
	s24 =	spop (v2sf)  }
0x60: {  	(v2sf) =	vpush v0, $0xB;
	[hbm4b:s23+s3] =	stream.linear.scatter [tilespmem:s24], [sflag:$0x1], $0x400, $0x38;
	[tilespmem:$0x10080] =	vst v63  }
0x61: {  	s25 =	sadd.s32 $0xA00, s11;
	s26 =	spop (v2sf)  }
0x62: {  	(v2sf) =	vpush v0, $0xC;
	[hbm4b:s25+s3] =	stream.linear.scatter [tilespmem:s26], [sflag:$0x1], $0x400, $0x38;
	[tilespmem:$0x10080] =	vst v63  }
0x63: {  	s28 =	sadd.s32 $0xA80, s11;
	s29 =	spop (v2sf)  }
0x64: {  	(v2sf) =	vpush v0, $0xD;
	[hbm4b:s28+s3] =	stream.linear.scatter [tilespmem:s29], [sflag:$0x1], $0x400, $0x38;
	[tilespmem:$0x10080] =	vst v63  }
0x65: {  	s30 =	sadd.s32 $0xB00, s11;
	s31 =	spop (v2sf)  }
0x66: {  	(v2sf) =	vpush v0, $0xE;
	[hbm4b:s30+s3] =	stream.linear.scatter [tilespmem:s31], [sflag:$0x1], $0x400, $0x38;
	[tilespmem:$0x10080] =	vst v63  }
0x67: {  	s14 =	sadd.s32 $0xB80, s11;
	s15 =	spop (v2sf)  }
0x68: {  	(v2sf) =	vpush v0, $0xF;
	[hbm4b:s14+s3] =	stream.linear.scatter [tilespmem:s15], [sflag:$0x1], $0x400, $0x38;
	[tilespmem:$0x10080] =	vst v63  }
0x69: {  	s16 =	sadd.s32 $0xC00, s11;
	s17 =	spop (v2sf)  }
0x6a: {  	[hbm4b:s16+s3] =	stream.linear.scatter [tilespmem:s17], [sflag:$0x1], $0x400, $0x38;
	[tilespmem:$0x10080] =	vst v63  }
0x6b: {  	s18 =	sadd.s32 $0xC80, s11;
	s19 =	spop (v2sf)  }
0x6c: {  	[hbm4b:s18+s3] =	stream.linear.scatter [tilespmem:s19], [sflag:$0x1], $0x400, $0x38;
	[tilespmem:$0x10080] =	vst v63  }
0x6d: {  	s20 =	sadd.s32 $0xD00, s11;
	s21 =	spop (v2sf)  }
0x6e: {  	[hbm4b:s20+s3] =	stream.linear.scatter [tilespmem:s21], [sflag:$0x1], $0x400, $0x38;
	[tilespmem:$0x10080] =	vst v63  }
0x6f: {  	s22 =	sadd.s32 $0xD80, s11;
	s23 =	spop (v2sf)  }
0x70: {  	[hbm4b:s22+s3] =	stream.linear.scatter [tilespmem:s23], [sflag:$0x1], $0x400, $0x38;
	[tilespmem:$0x10080] =	vst v63  }
0x71: {  	s24 =	sadd.s32 $0xE00, s11;
	s25 =	spop (v2sf)  }
0x72: {  	[hbm4b:s24+s3] =	stream.linear.scatter [tilespmem:s25], [sflag:$0x1], $0x400, $0x38;
	[tilespmem:$0x10080] =	vst v63  }
0x73: {  	s26 =	sadd.s32 $0xE80, s11;
	s28 =	spop (v2sf)  }
0x74: {  	[hbm4b:s26+s3] =	stream.linear.scatter [tilespmem:s28], [sflag:$0x1], $0x400, $0x38;
	[tilespmem:$0x10080] =	vst v63  }
0x75: {  	s29 =	sadd.s32 $0xF00, s11;
	s30 =	spop (v2sf)  }
0x76: {  	[hbm4b:s29+s3] =	stream.linear.scatter [tilespmem:s30], [sflag:$0x1], $0x400, $0x38;
	[tilespmem:$0x10080] =	vst v63  }
0x77: {  	s11 =	sadd.s32 $0xF80, s11;
	s31 =	spop (v2sf)  }
0x78: {  	[hbm4b:s11+s3] =	stream.linear.scatter [tilespmem:s31], [sflag:$0x1], $0x400, $0x38;
	[tilespmem:$0x10080] =	vst v63  }
0x79: {  	_ =	swait.ge [sflag:s8], $0x400  }
0x7a: {  	[sflag:s8] =	ssyncset.done $0x0  }
0x7b: {  	[sflag:s8] =	ssyncadd.s32 $0xFFFFFC00  }
0x7c: {  	_ =	swait.ge [sflag:s8], $0x400  }
0x7d: {  	[sflag:s8] =	ssyncset.done $0x0  }
0x7e: {  	[sflag:s8] =	ssyncadd.s32 $0xFFFFFC00  }
0x7f: {  	_ =	swait.ge [sflag:s8], $0x400  }
0x80: {  	[sflag:s8] =	ssyncset.done $0x0  }
0x81: {  	[sflag:s8] =	ssyncadd.s32 $0xFFFFFC00  }
0x82: {  	_ =	swait.ge [sflag:s8], $0x400  }
0x83: {  	[sflag:s8] =	ssyncset.done $0x0  }
0x84: {  	[sflag:s8] =	ssyncadd.s32 $0xFFFFFC00  }
0x85: {  	_ =	swait.ge [sflag:s8], $0x400  }
0x86: {  	[sflag:s8] =	ssyncset.done $0x0  }
0x87: {  	[sflag:s8] =	ssyncadd.s32 $0xFFFFFC00  }
0x88: {  	_ =	swait.ge [sflag:s8], $0x400  }
0x89: {  	[sflag:s8] =	ssyncset.done $0x0  }
0x8a: {  	[sflag:s8] =	ssyncadd.s32 $0xFFFFFC00  }
0x8b: {  	_ =	swait.ge [sflag:s8], $0x400  }
0x8c: {  	[sflag:s8] =	ssyncset.done $0x0  }
0x8d: {  	[sflag:s8] =	ssyncadd.s32 $0xFFFFFC00  }
0x8e: {  	_ =	swait.ge [sflag:s8], $0x400  }
0x8f: {  	[sflag:s8] =	ssyncset.done $0x0  }
0x90: {  	[sflag:s8] =	ssyncadd.s32 $0xFFFFFC00  }
0x91: {  	_ =	swait.ge [sflag:s8], $0x400  }
0x92: {  	[sflag:s8] =	ssyncset.done $0x0  }
0x93: {  	[sflag:s8] =	ssyncadd.s32 $0xFFFFFC00  }
0x94: {  	_ =	swait.ge [sflag:s8], $0x400  }
0x95: {  	[sflag:s8] =	ssyncset.done $0x0  }
0x96: {  	[sflag:s8] =	ssyncadd.s32 $0xFFFFFC00  }
0x97: {  	_ =	swait.ge [sflag:s8], $0x400  }
0x98: {  	[sflag:s8] =	ssyncset.done $0x0  }
0x99: {  	[sflag:s8] =	ssyncadd.s32 $0xFFFFFC00  }
0x9a: {  	_ =	swait.ge [sflag:s8], $0x400  }
0x9b: {  	[sflag:s8] =	ssyncset.done $0x0  }
0x9c: {  	[sflag:s8] =	ssyncadd.s32 $0xFFFFFC00  }
0x9d: {  	_ =	swait.ge [sflag:s8], $0x400  }
0x9e: {  	[sflag:s8] =	ssyncset.done $0x0  }
0x9f: {  	[sflag:s8] =	ssyncadd.s32 $0xFFFFFC00  }
0xa0: {  	_ =	swait.ge [sflag:s8], $0x400  }
0xa1: {  	[sflag:s8] =	ssyncset.done $0x0  }
0xa2: {  	[sflag:s8] =	ssyncadd.s32 $0xFFFFFC00  }
0xa3: {  	_ =	swait.ge [sflag:s8], $0x400  }
0xa4: {  	[sflag:s8] =	ssyncset.done $0x0  }
0xa5: {  	[sflag:s8] =	ssyncadd.s32 $0xFFFFFC00  }
0xa6: {  	_ =	swait.ge [sflag:s8], $0x400  }
0xa7: {  	[sflag:s8] =	ssyncset.done $0x0  }
0xa8: {  	[sflag:s8] =	ssyncadd.s32 $0xFFFFFC00  }
0xa9: {  	_ =	swait.ge [sflag:s8], $0x400  }
0xaa: {  	[sflag:s8] =	ssyncset.done $0x0  }
0xab: {  	[sflag:s8] =	ssyncadd.s32 $0xFFFFFC00  }
0xac: {  	_ =	swait.ge [sflag:s8], $0x400  }
0xad: {  	[sflag:s8] =	ssyncset.done $0x0  }
0xae: {  	[sflag:s8] =	ssyncadd.s32 $0xFFFFFC00  }
0xaf: {  	_ =	swait.ge [sflag:s8], $0x400  }
0xb0: {  	[sflag:s8] =	ssyncset.done $0x0  }
0xb1: {  	[sflag:s8] =	ssyncadd.s32 $0xFFFFFC00  }
0xb2: {  	_ =	swait.ge [sflag:s8], $0x400  }
0xb3: {  	[sflag:s8] =	ssyncset.done $0x0  }
0xb4: {  	[sflag:s8] =	ssyncadd.s32 $0xFFFFFC00  }
0xb5: {  	_ =	swait.ge [sflag:s8], $0x400  }
0xb6: {  	[sflag:s8] =	ssyncset.done $0x0  }
0xb7: {  	[sflag:s8] =	ssyncadd.s32 $0xFFFFFC00  }
0xb8: {  	_ =	swait.ge [sflag:s8], $0x400  }
0xb9: {  	[sflag:s8] =	ssyncset.done $0x0  }
0xba: {  	[sflag:s8] =	ssyncadd.s32 $0xFFFFFC00  }
0xbb: {  	_ =	swait.ge [sflag:s8], $0x400  }
0xbc: {  	[sflag:s8] =	ssyncset.done $0x0  }
0xbd: {  	[sflag:s8] =	ssyncadd.s32 $0xFFFFFC00  }
0xbe: {  	_ =	swait.ge [sflag:s8], $0x400  }
0xbf: {  	[sflag:s8] =	ssyncset.done $0x0  }
0xc0: {  	[sflag:s8] =	ssyncadd.s32 $0xFFFFFC00  }
0xc1: {  	_ =	swait.ge [sflag:s8], $0x400  }
0xc2: {  	[sflag:s8] =	ssyncset.done $0x0  }
0xc3: {  	[sflag:s8] =	ssyncadd.s32 $0xFFFFFC00  }
0xc4: {  	_ =	swait.ge [sflag:s8], $0x400  }
0xc5: {  	[sflag:s8] =	ssyncset.done $0x0  }
0xc6: {  	[sflag:s8] =	ssyncadd.s32 $0xFFFFFC00  }
0xc7: {  	_ =	swait.ge [sflag:s8], $0x400  }
0xc8: {  	[sflag:s8] =	ssyncset.done $0x0  }
0xc9: {  	[sflag:s8] =	ssyncadd.s32 $0xFFFFFC00  }
0xca: {  	_ =	swait.ge [sflag:s8], $0x400  }
0xcb: {  	[sflag:s8] =	ssyncset.done $0x0  }
0xcc: {  	[sflag:s8] =	ssyncadd.s32 $0xFFFFFC00  }
0xcd: {  	_ =	swait.ge [sflag:s8], $0x400  }
0xce: {  	[sflag:s8] =	ssyncset.done $0x0  }
0xcf: {  	[sflag:s8] =	ssyncadd.s32 $0xFFFFFC00  }
0xd0: {  	_ =	swait.ge [sflag:s8], $0x400  }
0xd1: {  	[sflag:s8] =	ssyncset.done $0x0  }
0xd2: {  	[sflag:s8] =	ssyncadd.s32 $0xFFFFFC00  }
0xd3: {  	_ =	swait.ge [sflag:s8], $0x400  }
0xd4: {  	[sflag:s8] =	ssyncset.done $0x0  }
0xd5: {  	[sflag:s8] =	ssyncadd.s32 $0xFFFFFC00  }
0xd6: {  	_ =	swait.ge [sflag:s8], $0x400  }
0xd7: {  	s11 =	simm.s32 $0x1000;
	[sflag:s8] =	ssyncset.done $0x0  }
.LBB2_2:
0xd8: {  	[sflag:s8] =	ssyncadd.s32 $0xFFFFFC00;
	s10 =	sadd.s32 $0x20, s10  }
0xd9: {  	v0 =	vld [tilespmem:s10+$0xFFFFFFF0];
	_ =	sdelay $0x4  }
0xda: {  	v0 =	vsub.s32 $0xFFF, v0  }
0xdb: {  	v1 =	vshra.s32 v0, $0x1F  }
0xdc: {  	v1 =	vshrl.u32 v1, $0x1B  }
0xdd: {  	v1 =	vadd.s32 v1, v0  }
0xde: {  	v1 =	vshrl.u32 v1, $0x5  }
0xdf: {  	v1 =	vshll.u32 v1, $0x5  }
0xe0: {  	v0 =	vsub.s32 v0, v1  }
0xe1: {  	v1 =	vshrl.u32 v1, $0x2;
	v0 =	vshll.u32 v0, $0xB  }
0xe2: {  	v0 =	vadd.s32 v0, v1  }
0xe3: {  	(v2sf) =	vpush v0, $0x0;
	_ =	sdelay $0x1  }
0xe4: {  	(v2sf) =	vpush v0, $0x1;
	_ =	sdelay $0x1  }
0xe5: {  	(v2sf) =	vpush v0, $0x2;
	_ =	sdelay $0x1  }
0xe6: {  	(v2sf) =	vpush v0, $0x3;
	_ =	sdelay $0x1  }
0xe7: {  	(v2sf) =	vpush v0, $0x4;
	_ =	sdelay $0x1  }
0xe8: {  	(v2sf) =	vpush v0, $0x5;
	_ =	sdelay $0x1  }
0xe9: {  	(v2sf) =	vpush v0, $0x6;
	_ =	sdelay $0x1  }
0xea: {  	s12 =	smov.u32 s11;
	s13 =	rddreg [dreg:$0x4];
	(v2sf) =	vpush v0, $0x7  }
0xeb: {  	s12 =	sadd.s32 s12, s13;
	s19 =	spop (v2sf)  }
0xec: {  	(v2sf) =	vpush v0, $0x8;
	[hbm4b:s12+s3] =	stream.linear.scatter [tilespmem:s19], [sflag:$0x1], $0x400, $0x38;
	[tilespmem:$0x10080] =	vst v63  }
0xed: {  	s20 =	sadd.s32 $0x80, s12;
	s14 =	spop (v2sf)  }
0xee: {  	(v2sf) =	vpush v0, $0x9;
	[hbm4b:s20+s3] =	stream.linear.scatter [tilespmem:s14], [sflag:$0x1], $0x400, $0x38;
	[tilespmem:$0x10080] =	vst v63  }
0xef: {  	s21 =	sadd.s32 $0x100, s12;
	s22 =	spop (v2sf)  }
0xf0: {  	(v2sf) =	vpush v0, $0xA;
	[hbm4b:s21+s3] =	stream.linear.scatter [tilespmem:s22], [sflag:$0x1], $0x400, $0x38;
	[tilespmem:$0x10080] =	vst v63  }
0xf1: {  	s23 =	sadd.s32 $0x180, s12;
	s24 =	spop (v2sf)  }
0xf2: {  	(v2sf) =	vpush v0, $0xB;
	[hbm4b:s23+s3] =	stream.linear.scatter [tilespmem:s24], [sflag:$0x1], $0x400, $0x38;
	[tilespmem:$0x10080] =	vst v63  }
0xf3: {  	s25 =	sadd.s32 $0x200, s12;
	s26 =	spop (v2sf)  }
0xf4: {  	(v2sf) =	vpush v0, $0xC;
	[hbm4b:s25+s3] =	stream.linear.scatter [tilespmem:s26], [sflag:$0x1], $0x400, $0x38;
	[tilespmem:$0x10080] =	vst v63  }
0xf5: {  	s28 =	sadd.s32 $0x280, s12;
	s29 =	spop (v2sf)  }
0xf6: {  	(v2sf) =	vpush v0, $0xD;
	[hbm4b:s28+s3] =	stream.linear.scatter [tilespmem:s29], [sflag:$0x1], $0x400, $0x38;
	[tilespmem:$0x10080] =	vst v63  }
0xf7: {  	s30 =	sadd.s32 $0x300, s12;
	s31 =	spop (v2sf)  }
0xf8: {  	(v2sf) =	vpush v0, $0xE;
	[hbm4b:s30+s3] =	stream.linear.scatter [tilespmem:s31], [sflag:$0x1], $0x400, $0x38;
	[tilespmem:$0x10080] =	vst v63  }
0xf9: {  	s15 =	sadd.s32 $0x380, s12;
	s16 =	spop (v2sf)  }
0xfa: {  	(v2sf) =	vpush v0, $0xF;
	[hbm4b:s15+s3] =	stream.linear.scatter [tilespmem:s16], [sflag:$0x1], $0x400, $0x38;
	[tilespmem:$0x10080] =	vst v63  }
0xfb: {  	s17 =	sadd.s32 $0x400, s12;
	s18 =	spop (v2sf)  }
0xfc: {  	[hbm4b:s17+s3] =	stream.linear.scatter [tilespmem:s18], [sflag:$0x1], $0x400, $0x38;
	[tilespmem:$0x10080] =	vst v63  }
0xfd: {  	s19 =	sadd.s32 $0x480, s12;
	s20 =	spop (v2sf)  }
0xfe: {  	[hbm4b:s19+s3] =	stream.linear.scatter [tilespmem:s20], [sflag:$0x1], $0x400, $0x38;
	[tilespmem:$0x10080] =	vst v63  }
0xff: {  	s21 =	sadd.s32 $0x500, s12;
	s22 =	spop (v2sf)  }
0x100: {  	[hbm4b:s21+s3] =	stream.linear.scatter [tilespmem:s22], [sflag:$0x1], $0x400, $0x38;
	[tilespmem:$0x10080] =	vst v63  }
0x101: {  	s23 =	sadd.s32 $0x580, s12;
	s24 =	spop (v2sf)  }
0x102: {  	[hbm4b:s23+s3] =	stream.linear.scatter [tilespmem:s24], [sflag:$0x1], $0x400, $0x38;
	[tilespmem:$0x10080] =	vst v63  }
0x103: {  	s25 =	sadd.s32 $0x600, s12;
	s26 =	spop (v2sf)  }
0x104: {  	[hbm4b:s25+s3] =	stream.linear.scatter [tilespmem:s26], [sflag:$0x1], $0x400, $0x38;
	[tilespmem:$0x10080] =	vst v63  }
0x105: {  	s28 =	sadd.s32 $0x680, s12;
	s29 =	spop (v2sf)  }
0x106: {  	[hbm4b:s28+s3] =	stream.linear.scatter [tilespmem:s29], [sflag:$0x1], $0x400, $0x38;
	[tilespmem:$0x10080] =	vst v63  }
0x107: {  	s30 =	sadd.s32 $0x700, s12;
	s31 =	spop (v2sf)  }
0x108: {  	[hbm4b:s30+s3] =	stream.linear.scatter [tilespmem:s31], [sflag:$0x1], $0x400, $0x38;
	[tilespmem:$0x10080] =	vst v63  }
0x109: {  	s15 =	sadd.s32 $0x780, s12;
	s16 =	spop (v2sf)  }
0x10a: {  	[hbm4b:s15+s3] =	stream.linear.scatter [tilespmem:s16], [sflag:$0x1], $0x400, $0x38;
	[tilespmem:$0x10080] =	vst v63  }
0x10b: {  	v62 =	vld [tilespmem:s10+$0x0];
	_ =	sdelay $0x4  }
0x10c: {  	v0 =	vsub.s32 $0xFFF, v62  }
0x10d: {  	v63 =	vshra.s32 v0, $0x1F  }
0x10e: {  	v1 =	vshrl.u32 v63, $0x1B  }
0x10f: {  	v1 =	vadd.s32 v1, v0  }
0x110: {  	v1 =	vshrl.u32 v1, $0x5  }
0x111: {  	v1 =	vshll.u32 v1, $0x5  }
0x112: {  	v0 =	vsub.s32 v0, v1  }
0x113: {  	v1 =	vshrl.u32 v1, $0x2;
	v0 =	vshll.u32 v0, $0xB  }
0x114: {  	v0 =	vadd.s32 v0, v1  }
0x115: {  	(v2sf) =	vpush v0, $0x0;
	_ =	sdelay $0x1  }
0x116: {  	(v2sf) =	vpush v0, $0x1;
	_ =	sdelay $0x1  }
0x117: {  	(v2sf) =	vpush v0, $0x2;
	_ =	sdelay $0x1  }
0x118: {  	(v2sf) =	vpush v0, $0x3;
	_ =	sdelay $0x1  }
0x119: {  	(v2sf) =	vpush v0, $0x4;
	_ =	sdelay $0x1  }
0x11a: {  	(v2sf) =	vpush v0, $0x5;
	_ =	sdelay $0x1  }
0x11b: {  	(v2sf) =	vpush v0, $0x6;
	_ =	sdelay $0x1  }
0x11c: {  	(v2sf) =	vpush v0, $0x7  }
0x11d: {  	s17 =	sadd.s32 $0x800, s12;
	s18 =	spop (v2sf)  }
0x11e: {  	(v2sf) =	vpush v0, $0x8;
	[hbm4b:s17+s3] =	stream.linear.scatter [tilespmem:s18], [sflag:$0x1], $0x400, $0x38;
	[tilespmem:$0x10080] =	vst v63  }
0x11f: {  	s19 =	sadd.s32 $0x880, s12;
	s20 =	spop (v2sf)  }
0x120: {  	(v2sf) =	vpush v0, $0x9;
	[hbm4b:s19+s3] =	stream.linear.scatter [tilespmem:s20], [sflag:$0x1], $0x400, $0x38;
	[tilespmem:$0x10080] =	vst v63  }
0x121: {  	s21 =	sadd.s32 $0x900, s12;
	s22 =	spop (v2sf)  }
0x122: {  	(v2sf) =	vpush v0, $0xA;
	[hbm4b:s21+s3] =	stream.linear.scatter [tilespmem:s22], [sflag:$0x1], $0x400, $0x38;
	[tilespmem:$0x10080] =	vst v63  }
0x123: {  	s23 =	sadd.s32 $0x980, s12;
	s24 =	spop (v2sf)  }
0x124: {  	(v2sf) =	vpush v0, $0xB;
	[hbm4b:s23+s3] =	stream.linear.scatter [tilespmem:s24], [sflag:$0x1], $0x400, $0x38;
	[tilespmem:$0x10080] =	vst v63  }
0x125: {  	s25 =	sadd.s32 $0xA00, s12;
	s26 =	spop (v2sf)  }
0x126: {  	(v2sf) =	vpush v0, $0xC;
	[hbm4b:s25+s3] =	stream.linear.scatter [tilespmem:s26], [sflag:$0x1], $0x400, $0x38;
	[tilespmem:$0x10080] =	vst v63  }
0x127: {  	s28 =	sadd.s32 $0xA80, s12;
	s29 =	spop (v2sf)  }
0x128: {  	(v2sf) =	vpush v0, $0xD;
	[hbm4b:s28+s3] =	stream.linear.scatter [tilespmem:s29], [sflag:$0x1], $0x400, $0x38;
	[tilespmem:$0x10080] =	vst v63  }
0x129: {  	s30 =	sadd.s32 $0xB00, s12;
	s31 =	spop (v2sf)  }
0x12a: {  	(v2sf) =	vpush v0, $0xE;
	[hbm4b:s30+s3] =	stream.linear.scatter [tilespmem:s31], [sflag:$0x1], $0x400, $0x38;
	[tilespmem:$0x10080] =	vst v63  }
0x12b: {  	s14 =	sadd.s32 $0xB80, s12;
	s15 =	spop (v2sf)  }
0x12c: {  	(v2sf) =	vpush v0, $0xF;
	[hbm4b:s14+s3] =	stream.linear.scatter [tilespmem:s15], [sflag:$0x1], $0x400, $0x38;
	[tilespmem:$0x10080] =	vst v63  }
0x12d: {  	s16 =	sadd.s32 $0xC00, s12;
	s17 =	spop (v2sf)  }
0x12e: {  	[hbm4b:s16+s3] =	stream.linear.scatter [tilespmem:s17], [sflag:$0x1], $0x400, $0x38;
	[tilespmem:$0x10080] =	vst v63  }
0x12f: {  	s18 =	sadd.s32 $0xC80, s12;
	s19 =	spop (v2sf)  }
0x130: {  	[hbm4b:s18+s3] =	stream.linear.scatter [tilespmem:s19], [sflag:$0x1], $0x400, $0x38;
	[tilespmem:$0x10080] =	vst v63  }
0x131: {  	s20 =	sadd.s32 $0xD00, s12;
	s21 =	spop (v2sf)  }
0x132: {  	[hbm4b:s20+s3] =	stream.linear.scatter [tilespmem:s21], [sflag:$0x1], $0x400, $0x38;
	[tilespmem:$0x10080] =	vst v63  }
0x133: {  	s22 =	sadd.s32 $0xD80, s12;
	s23 =	spop (v2sf)  }
0x134: {  	[hbm4b:s22+s3] =	stream.linear.scatter [tilespmem:s23], [sflag:$0x1], $0x400, $0x38;
	[tilespmem:$0x10080] =	vst v63  }
0x135: {  	s24 =	sadd.s32 $0xE00, s12;
	s25 =	spop (v2sf)  }
0x136: {  	[hbm4b:s24+s3] =	stream.linear.scatter [tilespmem:s25], [sflag:$0x1], $0x400, $0x38;
	[tilespmem:$0x10080] =	vst v63  }
0x137: {  	s26 =	sadd.s32 $0xE80, s12;
	s28 =	spop (v2sf)  }
0x138: {  	[hbm4b:s26+s3] =	stream.linear.scatter [tilespmem:s28], [sflag:$0x1], $0x400, $0x38;
	[tilespmem:$0x10080] =	vst v63  }
0x139: {  	s29 =	sadd.s32 $0xF00, s12;
	s30 =	spop (v2sf)  }
0x13a: {  	[hbm4b:s29+s3] =	stream.linear.scatter [tilespmem:s30], [sflag:$0x1], $0x400, $0x38;
	[tilespmem:$0x10080] =	vst v63  }
0x13b: {  	s12 =	sadd.s32 $0xF80, s12;
	s31 =	spop (v2sf)  }
0x13c: {  	[hbm4b:s12+s3] =	stream.linear.scatter [tilespmem:s31], [sflag:$0x1], $0x400, $0x38;
	[tilespmem:$0x10080] =	vst v63  }
0x13d: {  	_ =	swait.ge [sflag:s8], $0x400  }
0x13e: {  	[sflag:s8] =	ssyncset.done $0x0  }
0x13f: {  	[sflag:s8] =	ssyncadd.s32 $0xFFFFFC00  }
0x140: {  	_ =	swait.ge [sflag:s8], $0x400  }
0x141: {  	[sflag:s8] =	ssyncset.done $0x0  }
0x142: {  	[sflag:s8] =	ssyncadd.s32 $0xFFFFFC00  }
0x143: {  	_ =	swait.ge [sflag:s8], $0x400  }
0x144: {  	[sflag:s8] =	ssyncset.done $0x0  }
0x145: {  	[sflag:s8] =	ssyncadd.s32 $0xFFFFFC00  }
0x146: {  	_ =	swait.ge [sflag:s8], $0x400  }
0x147: {  	[sflag:s8] =	ssyncset.done $0x0  }
0x148: {  	[sflag:s8] =	ssyncadd.s32 $0xFFFFFC00  }
0x149: {  	_ =	swait.ge [sflag:s8], $0x400  }
0x14a: {  	[sflag:s8] =	ssyncset.done $0x0  }
0x14b: {  	[sflag:s8] =	ssyncadd.s32 $0xFFFFFC00  }
0x14c: {  	_ =	swait.ge [sflag:s8], $0x400  }
0x14d: {  	[sflag:s8] =	ssyncset.done $0x0  }
0x14e: {  	[sflag:s8] =	ssyncadd.s32 $0xFFFFFC00  }
0x14f: {  	_ =	swait.ge [sflag:s8], $0x400  }
0x150: {  	[sflag:s8] =	ssyncset.done $0x0  }
0x151: {  	[sflag:s8] =	ssyncadd.s32 $0xFFFFFC00  }
0x152: {  	_ =	swait.ge [sflag:s8], $0x400  }
0x153: {  	[sflag:s8] =	ssyncset.done $0x0  }
0x154: {  	[sflag:s8] =	ssyncadd.s32 $0xFFFFFC00  }
0x155: {  	_ =	swait.ge [sflag:s8], $0x400  }
0x156: {  	[sflag:s8] =	ssyncset.done $0x0  }
0x157: {  	[sflag:s8] =	ssyncadd.s32 $0xFFFFFC00  }
0x158: {  	_ =	swait.ge [sflag:s8], $0x400  }
0x159: {  	[sflag:s8] =	ssyncset.done $0x0  }
0x15a: {  	[sflag:s8] =	ssyncadd.s32 $0xFFFFFC00  }
0x15b: {  	_ =	swait.ge [sflag:s8], $0x400  }
0x15c: {  	[sflag:s8] =	ssyncset.done $0x0  }
0x15d: {  	[sflag:s8] =	ssyncadd.s32 $0xFFFFFC00  }
0x15e: {  	_ =	swait.ge [sflag:s8], $0x400  }
0x15f: {  	[sflag:s8] =	ssyncset.done $0x0  }
0x160: {  	[sflag:s8] =	ssyncadd.s32 $0xFFFFFC00  }
0x161: {  	_ =	swait.ge [sflag:s8], $0x400  }
0x162: {  	[sflag:s8] =	ssyncset.done $0x0  }
0x163: {  	[sflag:s8] =	ssyncadd.s32 $0xFFFFFC00  }
0x164: {  	_ =	swait.ge [sflag:s8], $0x400  }
0x165: {  	[sflag:s8] =	ssyncset.done $0x0  }
0x166: {  	[sflag:s8] =	ssyncadd.s32 $0xFFFFFC00  }
0x167: {  	_ =	swait.ge [sflag:s8], $0x400  }
0x168: {  	[sflag:s8] =	ssyncset.done $0x0  }
0x169: {  	[sflag:s8] =	ssyncadd.s32 $0xFFFFFC00  }
0x16a: {  	_ =	swait.ge [sflag:s8], $0x400  }
0x16b: {  	[sflag:s8] =	ssyncset.done $0x0  }
0x16c: {  	[sflag:s8] =	ssyncadd.s32 $0xFFFFFC00  }
0x16d: {  	_ =	swait.ge [sflag:s8], $0x400  }
0x16e: {  	[sflag:s8] =	ssyncset.done $0x0  }
0x16f: {  	[sflag:s8] =	ssyncadd.s32 $0xFFFFFC00  }
0x170: {  	_ =	swait.ge [sflag:s8], $0x400  }
0x171: {  	[sflag:s8] =	ssyncset.done $0x0  }
0x172: {  	[sflag:s8] =	ssyncadd.s32 $0xFFFFFC00  }
0x173: {  	_ =	swait.ge [sflag:s8], $0x400  }
0x174: {  	[sflag:s8] =	ssyncset.done $0x0  }
0x175: {  	[sflag:s8] =	ssyncadd.s32 $0xFFFFFC00  }
0x176: {  	_ =	swait.ge [sflag:s8], $0x400  }
0x177: {  	[sflag:s8] =	ssyncset.done $0x0  }
0x178: {  	[sflag:s8] =	ssyncadd.s32 $0xFFFFFC00  }
0x179: {  	_ =	swait.ge [sflag:s8], $0x400  }
0x17a: {  	[sflag:s8] =	ssyncset.done $0x0  }
0x17b: {  	[sflag:s8] =	ssyncadd.s32 $0xFFFFFC00  }
0x17c: {  	_ =	swait.ge [sflag:s8], $0x400  }
0x17d: {  	[sflag:s8] =	ssyncset.done $0x0  }
0x17e: {  	[sflag:s8] =	ssyncadd.s32 $0xFFFFFC00  }
0x17f: {  	_ =	swait.ge [sflag:s8], $0x400  }
0x180: {  	[sflag:s8] =	ssyncset.done $0x0  }
0x181: {  	[sflag:s8] =	ssyncadd.s32 $0xFFFFFC00  }
0x182: {  	_ =	swait.ge [sflag:s8], $0x400  }
0x183: {  	[sflag:s8] =	ssyncset.done $0x0  }
0x184: {  	[sflag:s8] =	ssyncadd.s32 $0xFFFFFC00  }
0x185: {  	_ =	swait.ge [sflag:s8], $0x400  }
0x186: {  	[sflag:s8] =	ssyncset.done $0x0  }
0x187: {  	[sflag:s8] =	ssyncadd.s32 $0xFFFFFC00  }
0x188: {  	_ =	swait.ge [sflag:s8], $0x400  }
0x189: {  	[sflag:s8] =	ssyncset.done $0x0  }
0x18a: {  	[sflag:s8] =	ssyncadd.s32 $0xFFFFFC00  }
0x18b: {  	_ =	swait.ge [sflag:s8], $0x400  }
0x18c: {  	[sflag:s8] =	ssyncset.done $0x0  }
0x18d: {  	[sflag:s8] =	ssyncadd.s32 $0xFFFFFC00  }
0x18e: {  	_ =	swait.ge [sflag:s8], $0x400  }
0x18f: {  	[sflag:s8] =	ssyncset.done $0x0  }
0x190: {  	[sflag:s8] =	ssyncadd.s32 $0xFFFFFC00  }
0x191: {  	_ =	swait.ge [sflag:s8], $0x400  }
0x192: {  	[sflag:s8] =	ssyncset.done $0x0  }
0x193: {  	[sflag:s8] =	ssyncadd.s32 $0xFFFFFC00  }
0x194: {  	_ =	swait.ge [sflag:s8], $0x400  }
0x195: {  	[sflag:s8] =	ssyncset.done $0x0  }
0x196: {  	p0 =	sne.s32 s11, $0x3000;
	[sflag:s8] =	ssyncadd.s32 $0xFFFFFC00  }
.Ltmp0:
0x197: {  	_ =	swait.ge [sflag:s8], $0x400;
	(pc) =	sbr.rel @p0 .LBB2_2-.Ltmp0, $4  }
0x198: {  	[sflag:s8] =	ssyncset.done $0x0  }
0x199: {  	[sflag:s8] =	ssyncadd.s32 $0xFFFFFC00  }
0x19a: {  	_ =	swait.ge [sflag:s8], $0x400  }
0x19b: {  	s11 =	sadd.s32 $0x1000, s11;
	[sflag:s8] =	ssyncset.done $0x0  }
0x19c: {  	s9 =	sadd.s32 $0x1, s9  }
0x19d: {  	p0 =	sne.s32 s9, s5  }
.Ltmp1:
0x19e: {  	_ = 	snop;
	(pc) =	sbr.rel @p0 .LBB2_1-.Ltmp1, $2  }
0x19f: {  	_ =	sdelay $0x2  }
0x1a0: {  	[sflag:s8] =	ssyncadd.s32 $0xFFFFFC00  }
0x1a1: {  	_ =	sfence.sel $0x180000  }
0x1a2: {  	[bflag:$0x0] =	sbarrier.arrive $0xFFFF  }
0x1a3: {  	p0 =	sne.s32 s2, $0x0;
	_ =	strace $0x90000047  }
0x1a4: {  	s0 =	sadd.s32 @!p0 $0x100000, s0;
	[bflag:$0x2] =	sbarrier.arrive $0xFFFF  }
0x1a5: {  	[sflag:s0] =	ssyncadd.tile.s32 @!p0 $0x1;
	_ =	shalt  }
.Lfunc_end2:
_tile_overlayer_lowered:
.L_overlay_start_2:
0x1a6: {  	(tag) =	ssettag $0x2  }
0x1a7: {  	s0 =	rddreg [dreg:$0x0];
	s2 =	stileid.u32  }
0x1a8: {  	s1 =	rddreg [dreg:$0x1];
	p0 =	sne.s32 s2, $0x0  }
0x1a9: {  	s3 =	rddreg [dreg:$0x2];
	[bflag:$0x3] =	sbarrier.arrive $0xFFFF;
	s2 =	simm.s32 @!p0 $0x1C02  }
0x1aa: {  	[timem:s3], [sflag:s2] =	dma.local @!p0 [hbm:s0], s1  }
0x1ab: {  	s0 =	simm.s32 @!p0 $0x2  }
0x1ac: {  	_ =	swait.ge @!p0 [sflag:s0], s1  }
0x1ad: {  	s1 =	ssub.s32 @!p0 $0x0, s1;
	[sflag:s0] =	ssyncset.done @!p0 $0x0  }
0x1ae: {  	[sflag:s0] =	ssyncadd.s32 @!p0 s1  }
0x1af: {  	[bflag:$0x3] =	sbarrier.arrive $0xFFFF  }
0x1b0: {  	_ =	shalt  }

</sc_bundles>
